<compile_context>
chip_gen: v7x
topology: tpu7x:2x2x1
jax: 0.10.2.dev20260603
libtpu: 0.0.44.dev20260713+nightly
codegen_flags: <defaults>
</compile_context>

<pallas_src>
import functools

import jax
import jax.numpy as jnp
from jax import lax
from jax.experimental import pallas as pl
from jax.experimental.pallas import tpu as pltpu
from jax.experimental.pallas import tpu_sc as plsc

N = 10000
D = 128
E = 320000
C = 32

NC = 2
NS = 16
NW = NC * NS
EPW = E // NW
K = 80
NCHUNK = EPW // K
RPT = 624
TAIL = N - NS * RPT

_mesh = plsc.VectorSubcoreMesh(core_axis_name="c", subcore_axis_name="s")


@functools.partial(
    pl.kernel,
    mesh=_mesh,
    out_type=jax.ShapeDtypeStruct((NC, N, D), jnp.float32),
    scratch_types=[
        pltpu.VMEM((NCHUNK, K), jnp.int32),
        pltpu.VMEM((NCHUNK, K), jnp.int32),
        pltpu.VMEM((K, D), jnp.float32),
        pltpu.VMEM((K, D), jnp.float32),
        pltpu.VMEM_SHARED((N, D), jnp.float32),
        pltpu.SemaphoreType.DMA,
        pltpu.SemaphoreType.DMA,
    ],
)
def _sc_scatter(src_hbm, dst_hbm, h_hbm, z_hbm, out_hbm,
                srcs_v, dsts_v, rows_a, rows_b, agg_sh, sem_a, sem_b):
    c = lax.axis_index("c")
    s = lax.axis_index("s")
    wid = c * NS + s
    pltpu.sync_copy(src_hbm.at[wid], srcs_v)
    pltpu.sync_copy(dst_hbm.at[wid], dsts_v)
    r0 = s * RPT
    pltpu.sync_copy(z_hbm.at[pl.ds(r0, RPT)], agg_sh.at[pl.ds(r0, RPT)])

    @pl.when(s == 0)
    def _zero_tail():
        pltpu.sync_copy(z_hbm.at[pl.ds(NS * RPT, TAIL)],
                        agg_sh.at[pl.ds(NS * RPT, TAIL)])

    plsc.subcore_barrier()

    def body(j, _):
        pltpu.async_copy(h_hbm.at[srcs_v.at[j]], rows_a, sem_a).wait()
        pltpu.sync_copy(rows_a, agg_sh.at[dsts_v.at[j]], add=True)
        return 0

    lax.fori_loop(0, NCHUNK, body, 0)

    plsc.subcore_barrier()
    pltpu.sync_copy(agg_sh.at[pl.ds(r0, RPT)], out_hbm.at[c, pl.ds(r0, RPT)])

    @pl.when(s == 0)
    def _out_tail():
        pltpu.sync_copy(agg_sh.at[pl.ds(NS * RPT, TAIL)],
                        out_hbm.at[c, pl.ds(NS * RPT, TAIL)])


BN = 1000


def _dense1_body(x_ref, a0_ref, a1_ref, wa_ref, ba_ref, wb_ref, bb_ref,
                 p0w_ref, p0b_ref, p1w_ref, p1b_ref, x1_ref, pred_ref):
    x = x_ref[...]
    hh = x + a0_ref[...] + a1_ref[...]
    t = jnp.maximum(jnp.dot(hh, wa_ref[...],
                            preferred_element_type=jnp.float32) + ba_ref[...],
                    0.0)
    x1 = jnp.maximum(jnp.dot(t, wb_ref[...],
                             preferred_element_type=jnp.float32) + bb_ref[...],
                     0.0)
    x1_ref[...] = x1
    pred_ref[...] = (
        jnp.dot(x, p0w_ref[...], preferred_element_type=jnp.float32)
        + p0b_ref[...]
        + jnp.dot(x1, p1w_ref[...], preferred_element_type=jnp.float32)
        + p1b_ref[...])


def _dense2_body(x_ref, a0_ref, a1_ref, wa_ref, ba_ref, wb_ref, bb_ref,
                 p2w_ref, p2b_ref, pin_ref, pred_ref):
    hh = x_ref[...] + a0_ref[...] + a1_ref[...]
    t = jnp.maximum(jnp.dot(hh, wa_ref[...],
                            preferred_element_type=jnp.float32) + ba_ref[...],
                    0.0)
    x2 = jnp.maximum(jnp.dot(t, wb_ref[...],
                             preferred_element_type=jnp.float32) + bb_ref[...],
                     0.0)
    pred_ref[...] = (
        pin_ref[...]
        + jnp.dot(x2, p2w_ref[...], preferred_element_type=jnp.float32)
        + p2b_ref[...])


def _row_spec(d):
    return pl.BlockSpec((BN, d), lambda i: (i, 0))


def _w_spec(a, b):
    return pl.BlockSpec((a, b), lambda i: (0, 0))


_dense1 = pl.pallas_call(
    _dense1_body,
    grid=(N // BN,),
    in_specs=[
        _row_spec(D), _row_spec(D), _row_spec(D),
        _w_spec(D, D), _w_spec(1, D), _w_spec(D, D), _w_spec(1, D),
        _w_spec(D, C), _w_spec(1, C), _w_spec(D, C), _w_spec(1, C),
    ],
    out_specs=[_row_spec(D), _row_spec(C)],
    out_shape=[
        jax.ShapeDtypeStruct((N, D), jnp.float32),
        jax.ShapeDtypeStruct((N, C), jnp.float32),
    ],
)

_dense2 = pl.pallas_call(
    _dense2_body,
    grid=(N // BN,),
    in_specs=[
        _row_spec(D), _row_spec(D), _row_spec(D),
        _w_spec(D, D), _w_spec(1, D), _w_spec(D, D), _w_spec(1, D),
        _w_spec(D, C), _w_spec(1, C), _row_spec(C),
    ],
    out_specs=_row_spec(C),
    out_shape=jax.ShapeDtypeStruct((N, C), jnp.float32),
)


@jax.jit
def kernel(X, edge_index, W1_0, b1_0, W1_1, b1_1, W2_0, b2_0, W2_1, b2_1,
           P0_W, P0_b, P1_W, P1_b, P2_W, P2_b):
    edge_src = edge_index[0].reshape(NW, NCHUNK, K)
    edge_dst = edge_index[1].reshape(NW, NCHUNK, K)
    zeros_nd = jnp.zeros((N, D), jnp.float32)

    r = lambda v: v.reshape(1, -1)

    agg1 = _sc_scatter(edge_src, edge_dst, X, zeros_nd)
    X1, pred01 = _dense1(X, agg1[0], agg1[1], W1_0, r(b1_0), W1_1, r(b1_1),
                         P0_W, r(P0_b), P1_W, r(P1_b))
    agg2 = _sc_scatter(edge_src, edge_dst, X1, zeros_nd)
    pred = _dense2(X1, agg2[0], agg2[1], W2_0, r(b2_0), W2_1, r(b2_1),
                   P2_W, r(P2_b), pred01)
    return pred

# --- scband reference (transcript-rebuilt; emitter-appended) ---
"""Pipeline reference for scband-gin-69123203662127 (READ-ONLY COPY).

The authoritative reference and input builder live on the scoring server;
editing this copy changes nothing except your own understanding.
"""

import jax, jax.numpy as jnp
import numpy as np

N = 10000
E = 320000
D = 128  # in_channels
H = 128  # hid_channels
C = 32   # num_classes


def setup_inputs(seed: int = 0) -> dict:
    key = jax.random.key(seed)
    ks = jax.random.split(key, 20)
    s = 0.05
    inp = {}
    inp["X"] = jax.random.normal(ks[0], (N, D), dtype=jnp.float32)
    inp["edge_index"] = jax.random.randint(ks[1], (2, E), 0, N, dtype=jnp.int32)
    # GINConv layer 1 MLP: [D -> H -> H]
    inp["W1_0"] = jax.random.normal(ks[2], (D, H), dtype=jnp.float32) * s
    inp["b1_0"] = jnp.zeros((H,), dtype=jnp.float32)
    inp["W1_1"] = jax.random.normal(ks[3], (H, H), dtype=jnp.float32) * s
    inp["b1_1"] = jnp.zeros((H,), dtype=jnp.float32)
    # GINConv layer 2 MLP: [H -> H -> H]
    inp["W2_0"] = jax.random.normal(ks[4], (H, H), dtype=jnp.float32) * s
    inp["b2_0"] = jnp.zeros((H,), dtype=jnp.float32)
    inp["W2_1"] = jax.random.normal(ks[5], (H, H), dtype=jnp.float32) * s
    inp["b2_1"] = jnp.zeros((H,), dtype=jnp.float32)
    # prediction heads (one per representation: input + each GIN layer)
    inp["P0_W"] = jax.random.normal(ks[6], (D, C), dtype=jnp.float32) * s
    inp["P0_b"] = jnp.zeros((C,), dtype=jnp.float32)
    inp["P1_W"] = jax.random.normal(ks[7], (H, C), dtype=jnp.float32) * s
    inp["P1_b"] = jnp.zeros((C,), dtype=jnp.float32)
    inp["P2_W"] = jax.random.normal(ks[8], (H, C), dtype=jnp.float32) * s
    inp["P2_b"] = jnp.zeros((C,), dtype=jnp.float32)
    return inp


def reference(X, edge_index, W1_0, b1_0, W1_1, b1_1, W2_0, b2_0, W2_1, b2_1,
              P0_W, P0_b, P1_W, P1_b, P2_W, P2_b):
    eps = 0.0  # train_eps=False, eps=0.0
    src = edge_index[0]
    dst = edge_index[1]

    def gin_conv(h, Wa, ba, Wb, bb):
        # neighbor sum aggregation (scatter-add over dst nodes)
        agg = jnp.zeros_like(h).at[dst].add(h[src])
        h2 = (1.0 + eps) * h + agg
        # MLP (eval mode: no BN, dropout disabled), relu after each linear (is_last=False)
        h2 = jax.nn.relu(h2 @ Wa + ba)
        h2 = jax.nn.relu(h2 @ Wb + bb)
        return h2

    pred = X @ P0_W + P0_b
    X1 = gin_conv(X, W1_0, b1_0, W1_1, b1_1)
    pred = pred + X1 @ P1_W + P1_b
    X2 = gin_conv(X1, W2_0, b2_0, W2_1, b2_1)
    pred = pred + X2 @ P2_W + P2_b
    return pred

if __name__ == "__main__":
    import jax
    _d = setup_inputs()
    print(jax.jit(kernel)(*tuple(_d.values())))

</pallas_src>

<mosaic_0001>
#map = affine_map<(d0, d1) -> (0, 0, 0)>
#map1 = affine_map<(d0, d1) -> (0, 0)>
module attributes {stable_mosaic.version = 14 : i64} {
  func.func @_sc_scatter(%arg0: i32, %arg1: i32, %arg2: memref<32x125x80xi32, #tpu.memory_space<hbm>>, %arg3: memref<32x125x80xi32, #tpu.memory_space<hbm>>, %arg4: memref<10000x128xf32, #tpu.memory_space<hbm>>, %arg5: memref<10000x128xf32, #tpu.memory_space<hbm>>, %arg6: memref<2x10000x128xf32, #tpu.memory_space<hbm>>, %arg7: memref<125x80xi32, #tpu.memory_space<vmem>>, %arg8: memref<125x80xi32, #tpu.memory_space<vmem>>, %arg9: memref<80x128xf32, #tpu.memory_space<vmem>>, %arg10: memref<80x128xf32, #tpu.memory_space<vmem>>, %arg11: memref<10000x128xf32, #tpu.memory_space<vmem_shared>>, %arg12: memref<!tpu.dma_semaphore, #tpu.memory_space<semaphore_mem>>, %arg13: memref<!tpu.dma_semaphore, #tpu.memory_space<semaphore_mem>>) attributes {dimension_semantics = [#tpu.dimension_semantics<core_parallel>, #tpu.dimension_semantics<subcore_parallel>], iteration_bounds = array<i64: 2, 16>, scalar_prefetch = 0 : i64, scratch_operands = 7 : i64, tpu.core_type = #tpu.core_type<sc_vector_subcore>, window_params = [{transform_indices = #map}, {transform_indices = #map}, {transform_indices = #map1}, {transform_indices = #map1}, {transform_indices = #map}]} {
    %mul3A = arith.constant 16 : i32
    %mul3A_0 = arith.muli %arg0, %mul3A : i32
    %add3A = arith.addi %mul3A_0, %arg1 : i32
    "tpu.region"() ({
      %run_scoped3A = tpu.sem_alloc : memref<!tpu.dma_semaphore, #tpu.memory_space<semaphore_mem>>
      %dma_start3A = arith.constant 0 : i32
      %dma_start3A_17 = arith.constant 0 : i32
      %dma_start3A_18 = tpu.memref_slice %arg2[%add3A, %dma_start3A, %dma_start3A_17] : memref<32x125x80xi32, #tpu.memory_space<hbm>> -> memref<1x125x80xi32, #tpu.memory_space<hbm>>
      %dma_start3A_19 = tpu.memref_squeeze %dma_start3A_18 : memref<1x125x80xi32, #tpu.memory_space<hbm>> -> memref<125x80xi32, #tpu.memory_space<hbm>>
      %dma_start3A_20 = arith.constant 0 : i32
      %dma_start3A_21 = arith.constant 0 : i32
      %dma_start3A_22 = tpu.memref_slice %arg2[%add3A, %dma_start3A_20, %dma_start3A_21] : memref<32x125x80xi32, #tpu.memory_space<hbm>> -> memref<1x125x80xi32, #tpu.memory_space<hbm>>
      %dma_start3A_23 = tpu.memref_squeeze %dma_start3A_22 : memref<1x125x80xi32, #tpu.memory_space<hbm>> -> memref<125x80xi32, #tpu.memory_space<hbm>>
      tpu.enqueue_dma source(%dma_start3A_23 : memref<125x80xi32, #tpu.memory_space<hbm>>) target(%arg7 : memref<125x80xi32, #tpu.memory_space<vmem>>) target_semaphore(%run_scoped3A : memref<!tpu.dma_semaphore, #tpu.memory_space<semaphore_mem>>)
      %dma_wait3A = arith.constant 0 : i32
      %dma_wait3A_24 = arith.constant 0 : i32
      %dma_wait3A_25 = tpu.memref_slice %arg2[%add3A, %dma_wait3A, %dma_wait3A_24] : memref<32x125x80xi32, #tpu.memory_space<hbm>> -> memref<1x125x80xi32, #tpu.memory_space<hbm>>
      %dma_wait3A_26 = tpu.memref_squeeze %dma_wait3A_25 : memref<1x125x80xi32, #tpu.memory_space<hbm>> -> memref<125x80xi32, #tpu.memory_space<hbm>>
      %dma_wait3A_27 = arith.constant 0 : i32
      %dma_wait3A_28 = arith.constant 0 : i32
      %dma_wait3A_29 = tpu.memref_slice %arg2[%add3A, %dma_wait3A_27, %dma_wait3A_28] : memref<32x125x80xi32, #tpu.memory_space<hbm>> -> memref<1x125x80xi32, #tpu.memory_space<hbm>>
      %dma_wait3A_30 = tpu.memref_squeeze %dma_wait3A_29 : memref<1x125x80xi32, #tpu.memory_space<hbm>> -> memref<125x80xi32, #tpu.memory_space<hbm>>
      tpu.wait_dma2 semaphore(%run_scoped3A : memref<!tpu.dma_semaphore, #tpu.memory_space<semaphore_mem>>) src(%dma_wait3A_30 : memref<125x80xi32, #tpu.memory_space<hbm>>) dst(%arg7 : memref<125x80xi32, #tpu.memory_space<vmem>>)
      tpu.yield
    }) : () -> ()
    "tpu.region"() ({
      %run_scoped3A = tpu.sem_alloc : memref<!tpu.dma_semaphore, #tpu.memory_space<semaphore_mem>>
      %dma_start3A = arith.constant 0 : i32
      %dma_start3A_17 = arith.constant 0 : i32
      %dma_start3A_18 = tpu.memref_slice %arg3[%add3A, %dma_start3A, %dma_start3A_17] : memref<32x125x80xi32, #tpu.memory_space<hbm>> -> memref<1x125x80xi32, #tpu.memory_space<hbm>>
      %dma_start3A_19 = tpu.memref_squeeze %dma_start3A_18 : memref<1x125x80xi32, #tpu.memory_space<hbm>> -> memref<125x80xi32, #tpu.memory_space<hbm>>
      %dma_start3A_20 = arith.constant 0 : i32
      %dma_start3A_21 = arith.constant 0 : i32
      %dma_start3A_22 = tpu.memref_slice %arg3[%add3A, %dma_start3A_20, %dma_start3A_21] : memref<32x125x80xi32, #tpu.memory_space<hbm>> -> memref<1x125x80xi32, #tpu.memory_space<hbm>>
      %dma_start3A_23 = tpu.memref_squeeze %dma_start3A_22 : memref<1x125x80xi32, #tpu.memory_space<hbm>> -> memref<125x80xi32, #tpu.memory_space<hbm>>
      tpu.enqueue_dma source(%dma_start3A_23 : memref<125x80xi32, #tpu.memory_space<hbm>>) target(%arg8 : memref<125x80xi32, #tpu.memory_space<vmem>>) target_semaphore(%run_scoped3A : memref<!tpu.dma_semaphore, #tpu.memory_space<semaphore_mem>>)
      %dma_wait3A = arith.constant 0 : i32
      %dma_wait3A_24 = arith.constant 0 : i32
      %dma_wait3A_25 = tpu.memref_slice %arg3[%add3A, %dma_wait3A, %dma_wait3A_24] : memref<32x125x80xi32, #tpu.memory_space<hbm>> -> memref<1x125x80xi32, #tpu.memory_space<hbm>>
      %dma_wait3A_26 = tpu.memref_squeeze %dma_wait3A_25 : memref<1x125x80xi32, #tpu.memory_space<hbm>> -> memref<125x80xi32, #tpu.memory_space<hbm>>
      %dma_wait3A_27 = arith.constant 0 : i32
      %dma_wait3A_28 = arith.constant 0 : i32
      %dma_wait3A_29 = tpu.memref_slice %arg3[%add3A, %dma_wait3A_27, %dma_wait3A_28] : memref<32x125x80xi32, #tpu.memory_space<hbm>> -> memref<1x125x80xi32, #tpu.memory_space<hbm>>
      %dma_wait3A_30 = tpu.memref_squeeze %dma_wait3A_29 : memref<1x125x80xi32, #tpu.memory_space<hbm>> -> memref<125x80xi32, #tpu.memory_space<hbm>>
      tpu.wait_dma2 semaphore(%run_scoped3A : memref<!tpu.dma_semaphore, #tpu.memory_space<semaphore_mem>>) src(%dma_wait3A_30 : memref<125x80xi32, #tpu.memory_space<hbm>>) dst(%arg8 : memref<125x80xi32, #tpu.memory_space<vmem>>)
      tpu.yield
    }) : () -> ()
    %mul3A_1 = arith.constant 624 : i32
    %mul3A_2 = arith.muli %arg1, %mul3A_1 : i32
    "tpu.region"() ({
      %run_scoped3A = tpu.sem_alloc : memref<!tpu.dma_semaphore, #tpu.memory_space<semaphore_mem>>
      %dma_start3A = arith.constant 0 : i32
      %dma_start3A_17 = tpu.memref_slice %arg11[%mul3A_2, %dma_start3A] : memref<10000x128xf32, #tpu.memory_space<vmem_shared>> -> memref<624x128xf32, #tpu.memory_space<vmem_shared>>
      %dma_start3A_18 = arith.constant 0 : i32
      %dma_start3A_19 = tpu.memref_slice %arg5[%mul3A_2, %dma_start3A_18] : memref<10000x128xf32, #tpu.memory_space<hbm>> -> memref<624x128xf32, #tpu.memory_space<hbm>>
      tpu.enqueue_dma source(%dma_start3A_19 : memref<624x128xf32, #tpu.memory_space<hbm>>) target(%dma_start3A_17 : memref<624x128xf32, #tpu.memory_space<vmem_shared>>) target_semaphore(%run_scoped3A : memref<!tpu.dma_semaphore, #tpu.memory_space<semaphore_mem>>)
      %dma_wait3A = arith.constant 0 : i32
      %dma_wait3A_20 = tpu.memref_slice %arg11[%mul3A_2, %dma_wait3A] : memref<10000x128xf32, #tpu.memory_space<vmem_shared>> -> memref<624x128xf32, #tpu.memory_space<vmem_shared>>
      %dma_wait3A_21 = arith.constant 0 : i32
      %dma_wait3A_22 = tpu.memref_slice %arg5[%mul3A_2, %dma_wait3A_21] : memref<10000x128xf32, #tpu.memory_space<hbm>> -> memref<624x128xf32, #tpu.memory_space<hbm>>
      tpu.wait_dma2 semaphore(%run_scoped3A : memref<!tpu.dma_semaphore, #tpu.memory_space<semaphore_mem>>) src(%dma_wait3A_22 : memref<624x128xf32, #tpu.memory_space<hbm>>) dst(%dma_wait3A_20 : memref<624x128xf32, #tpu.memory_space<vmem_shared>>)
      tpu.yield
    }) : () -> ()
    %eq3A = arith.constant 0 : i32
    %eq3A_3 = arith.cmpi eq, %arg1, %eq3A : i32
    %convert_element_type3A = arith.extui %eq3A_3 : i1 to i32
    %cond3A = arith.constant 0 : i32
    %cond3A_4 = arith.cmpi ne, %convert_element_type3A, %cond3A : i32
    scf.if %cond3A_4 {
      "tpu.region"() ({
        %run_scoped3A = tpu.sem_alloc : memref<!tpu.dma_semaphore, #tpu.memory_space<semaphore_mem>>
        %dma_start3A = arith.constant 9984 : i32
        %dma_start3A_17 = arith.constant 0 : i32
        %dma_start3A_18 = tpu.memref_slice %arg11[%dma_start3A, %dma_start3A_17] : memref<10000x128xf32, #tpu.memory_space<vmem_shared>> -> memref<16x128xf32, #tpu.memory_space<vmem_shared>>
        %dma_start3A_19 = arith.constant 9984 : i32
        %dma_start3A_20 = arith.constant 0 : i32
        %dma_start3A_21 = tpu.memref_slice %arg5[%dma_start3A_19, %dma_start3A_20] : memref<10000x128xf32, #tpu.memory_space<hbm>> -> memref<16x128xf32, #tpu.memory_space<hbm>>
        tpu.enqueue_dma source(%dma_start3A_21 : memref<16x128xf32, #tpu.memory_space<hbm>>) target(%dma_start3A_18 : memref<16x128xf32, #tpu.memory_space<vmem_shared>>) target_semaphore(%run_scoped3A : memref<!tpu.dma_semaphore, #tpu.memory_space<semaphore_mem>>)
        %dma_wait3A = arith.constant 9984 : i32
        %dma_wait3A_22 = arith.constant 0 : i32
        %dma_wait3A_23 = tpu.memref_slice %arg11[%dma_wait3A, %dma_wait3A_22] : memref<10000x128xf32, #tpu.memory_space<vmem_shared>> -> memref<16x128xf32, #tpu.memory_space<vmem_shared>>
        %dma_wait3A_24 = arith.constant 9984 : i32
        %dma_wait3A_25 = arith.constant 0 : i32
        %dma_wait3A_26 = tpu.memref_slice %arg5[%dma_wait3A_24, %dma_wait3A_25] : memref<10000x128xf32, #tpu.memory_space<hbm>> -> memref<16x128xf32, #tpu.memory_space<hbm>>
        tpu.wait_dma2 semaphore(%run_scoped3A : memref<!tpu.dma_semaphore, #tpu.memory_space<semaphore_mem>>) src(%dma_wait3A_26 : memref<16x128xf32, #tpu.memory_space<hbm>>) dst(%dma_wait3A_23 : memref<16x128xf32, #tpu.memory_space<vmem_shared>>)
        tpu.yield
      }) : () -> ()
    } else {
    }
    %barrier3A = arith.constant 0 : index
    tpu.barrier barrier_id(%barrier3A)
    %scan3A = arith.constant 0 : i32
    %scan3A_5 = arith.constant 0 : i32
    %scan3A_6 = arith.constant 125 : i32
    %scan3A_7 = arith.addi %scan3A_5, %scan3A_6 : i32
    %scan3A_8 = arith.constant 1 : i32
    %scan3A_9 = scf.for %scan3A_17 = %scan3A_5 to %scan3A_7 step %scan3A_8 iter_args(%scan3A_18 = %scan3A) -> (i32)  : i32 {
      %dma_start3A = arith.constant 0 : i32
      %dma_start3A_19 = tpu.memref_slice %arg7[%scan3A_17, %dma_start3A] : memref<125x80xi32, #tpu.memory_space<vmem>> -> memref<1x80xi32, #tpu.memory_space<vmem>>
      %dma_start3A_20 = tpu.memref_squeeze %dma_start3A_19 : memref<1x80xi32, #tpu.memory_space<vmem>> -> memref<80xi32, #tpu.memory_space<vmem>>
      %dma_start3A_21 = arith.constant 0 : i32
      %dma_start3A_22 = arith.constant 0 : i32
      %dma_start3A_23 = tpu.memref_slice %arg4[%dma_start3A_21, %dma_start3A_22] : memref<10000x128xf32, #tpu.memory_space<hbm>> -> memref<10000x128xf32, #tpu.memory_space<hbm>>
      tpu.enqueue_indirect_dma source(%dma_start3A_23 : memref<10000x128xf32, #tpu.memory_space<hbm>>) target(%arg9 : memref<80x128xf32, #tpu.memory_space<vmem>>) offsets(%dma_start3A_20 : memref<80xi32, #tpu.memory_space<vmem>>) semaphore(%arg12 : memref<!tpu.dma_semaphore, #tpu.memory_space<semaphore_mem>>)
      %dma_wait3A = arith.constant 0 : i32
      %dma_wait3A_24 = tpu.memref_slice %arg7[%scan3A_17, %dma_wait3A] : memref<125x80xi32, #tpu.memory_space<vmem>> -> memref<1x80xi32, #tpu.memory_space<vmem>>
      %dma_wait3A_25 = tpu.memref_squeeze %dma_wait3A_24 : memref<1x80xi32, #tpu.memory_space<vmem>> -> memref<80xi32, #tpu.memory_space<vmem>>
      %dma_wait3A_26 = arith.constant 0 : i32
      %dma_wait3A_27 = arith.constant 0 : i32
      %dma_wait3A_28 = tpu.memref_slice %arg4[%dma_wait3A_26, %dma_wait3A_27] : memref<10000x128xf32, #tpu.memory_space<hbm>> -> memref<10000x128xf32, #tpu.memory_space<hbm>>
      tpu.wait_indirect_dma semaphore(%arg12 : memref<!tpu.dma_semaphore, #tpu.memory_space<semaphore_mem>>) src(%dma_wait3A_28 : memref<10000x128xf32, #tpu.memory_space<hbm>>) dst(%arg9 : memref<80x128xf32, #tpu.memory_space<vmem>>)
      "tpu.region"() ({
        %run_scoped3A = tpu.sem_alloc : memref<!tpu.dma_semaphore, #tpu.memory_space<semaphore_mem>>
        %dma_start3A_30 = arith.constant 0 : i32
        %dma_start3A_31 = tpu.memref_slice %arg8[%scan3A_17, %dma_start3A_30] : memref<125x80xi32, #tpu.memory_space<vmem>> -> memref<1x80xi32, #tpu.memory_space<vmem>>
        %dma_start3A_32 = tpu.memref_squeeze %dma_start3A_31 : memref<1x80xi32, #tpu.memory_space<vmem>> -> memref<80xi32, #tpu.memory_space<vmem>>
        %dma_start3A_33 = arith.constant 0 : i32
        %dma_start3A_34 = arith.constant 0 : i32
        %dma_start3A_35 = tpu.memref_slice %arg11[%dma_start3A_33, %dma_start3A_34] : memref<10000x128xf32, #tpu.memory_space<vmem_shared>> -> memref<10000x128xf32, #tpu.memory_space<vmem_shared>>
        tpu.enqueue_indirect_dma source(%arg9 : memref<80x128xf32, #tpu.memory_space<vmem>>) target(%dma_start3A_35 : memref<10000x128xf32, #tpu.memory_space<vmem_shared>>) offsets(%dma_start3A_32 : memref<80xi32, #tpu.memory_space<vmem>>) semaphore(%run_scoped3A : memref<!tpu.dma_semaphore, #tpu.memory_space<semaphore_mem>>) {add = true}
        %dma_wait3A_36 = arith.constant 0 : i32
        %dma_wait3A_37 = tpu.memref_slice %arg8[%scan3A_17, %dma_wait3A_36] : memref<125x80xi32, #tpu.memory_space<vmem>> -> memref<1x80xi32, #tpu.memory_space<vmem>>
        %dma_wait3A_38 = tpu.memref_squeeze %dma_wait3A_37 : memref<1x80xi32, #tpu.memory_space<vmem>> -> memref<80xi32, #tpu.memory_space<vmem>>
        %dma_wait3A_39 = arith.constant 0 : i32
        %dma_wait3A_40 = arith.constant 0 : i32
        %dma_wait3A_41 = tpu.memref_slice %arg11[%dma_wait3A_39, %dma_wait3A_40] : memref<10000x128xf32, #tpu.memory_space<vmem_shared>> -> memref<10000x128xf32, #tpu.memory_space<vmem_shared>>
        tpu.wait_indirect_dma semaphore(%run_scoped3A : memref<!tpu.dma_semaphore, #tpu.memory_space<semaphore_mem>>) src(%arg9 : memref<80x128xf32, #tpu.memory_space<vmem>>) dst(%dma_wait3A_41 : memref<10000x128xf32, #tpu.memory_space<vmem_shared>>)
        tpu.yield
      }) : () -> ()
      %scan3A_29 = arith.constant 0 : i32
      scf.yield %scan3A_29 : i32
    }
    %scan3A_10 = arith.constant 125 : i32
    %barrier3A_11 = arith.constant 0 : index
    tpu.barrier barrier_id(%barrier3A_11)
    "tpu.region"() ({
      %run_scoped3A = tpu.sem_alloc : memref<!tpu.dma_semaphore, #tpu.memory_space<semaphore_mem>>
      %dma_start3A = arith.constant 0 : i32
      %dma_start3A_17 = tpu.memref_slice %arg6[%arg0, %mul3A_2, %dma_start3A] : memref<2x10000x128xf32, #tpu.memory_space<hbm>> -> memref<1x624x128xf32, #tpu.memory_space<hbm>>
      %dma_start3A_18 = tpu.memref_squeeze %dma_start3A_17 : memref<1x624x128xf32, #tpu.memory_space<hbm>> -> memref<624x128xf32, #tpu.memory_space<hbm>>
      %dma_start3A_19 = arith.constant 0 : i32
      %dma_start3A_20 = tpu.memref_slice %arg11[%mul3A_2, %dma_start3A_19] : memref<10000x128xf32, #tpu.memory_space<vmem_shared>> -> memref<624x128xf32, #tpu.memory_space<vmem_shared>>
      tpu.enqueue_dma source(%dma_start3A_20 : memref<624x128xf32, #tpu.memory_space<vmem_shared>>) target(%dma_start3A_18 : memref<624x128xf32, #tpu.memory_space<hbm>>) target_semaphore(%run_scoped3A : memref<!tpu.dma_semaphore, #tpu.memory_space<semaphore_mem>>)
      %dma_wait3A = arith.constant 0 : i32
      %dma_wait3A_21 = tpu.memref_slice %arg6[%arg0, %mul3A_2, %dma_wait3A] : memref<2x10000x128xf32, #tpu.memory_space<hbm>> -> memref<1x624x128xf32, #tpu.memory_space<hbm>>
      %dma_wait3A_22 = tpu.memref_squeeze %dma_wait3A_21 : memref<1x624x128xf32, #tpu.memory_space<hbm>> -> memref<624x128xf32, #tpu.memory_space<hbm>>
      %dma_wait3A_23 = arith.constant 0 : i32
      %dma_wait3A_24 = tpu.memref_slice %arg11[%mul3A_2, %dma_wait3A_23] : memref<10000x128xf32, #tpu.memory_space<vmem_shared>> -> memref<624x128xf32, #tpu.memory_space<vmem_shared>>
      tpu.wait_dma2 semaphore(%run_scoped3A : memref<!tpu.dma_semaphore, #tpu.memory_space<semaphore_mem>>) src(%dma_wait3A_24 : memref<624x128xf32, #tpu.memory_space<vmem_shared>>) dst(%dma_wait3A_22 : memref<624x128xf32, #tpu.memory_space<hbm>>)
      tpu.yield
    }) : () -> ()
    %eq3A_12 = arith.constant 0 : i32
    %eq3A_13 = arith.cmpi eq, %arg1, %eq3A_12 : i32
    %convert_element_type3A_14 = arith.extui %eq3A_13 : i1 to i32
    %cond3A_15 = arith.constant 0 : i32
    %cond3A_16 = arith.cmpi ne, %convert_element_type3A_14, %cond3A_15 : i32
    scf.if %cond3A_16 {
      "tpu.region"() ({
        %run_scoped3A = tpu.sem_alloc : memref<!tpu.dma_semaphore, #tpu.memory_space<semaphore_mem>>
        %dma_start3A = arith.constant 9984 : i32
        %dma_start3A_17 = arith.constant 0 : i32
        %dma_start3A_18 = tpu.memref_slice %arg6[%arg0, %dma_start3A, %dma_start3A_17] : memref<2x10000x128xf32, #tpu.memory_space<hbm>> -> memref<1x16x128xf32, #tpu.memory_space<hbm>>
        %dma_start3A_19 = tpu.memref_squeeze %dma_start3A_18 : memref<1x16x128xf32, #tpu.memory_space<hbm>> -> memref<16x128xf32, #tpu.memory_space<hbm>>
        %dma_start3A_20 = arith.constant 9984 : i32
        %dma_start3A_21 = arith.constant 0 : i32
        %dma_start3A_22 = tpu.memref_slice %arg11[%dma_start3A_20, %dma_start3A_21] : memref<10000x128xf32, #tpu.memory_space<vmem_shared>> -> memref<16x128xf32, #tpu.memory_space<vmem_shared>>
        tpu.enqueue_dma source(%dma_start3A_22 : memref<16x128xf32, #tpu.memory_space<vmem_shared>>) target(%dma_start3A_19 : memref<16x128xf32, #tpu.memory_space<hbm>>) target_semaphore(%run_scoped3A : memref<!tpu.dma_semaphore, #tpu.memory_space<semaphore_mem>>)
        %dma_wait3A = arith.constant 9984 : i32
        %dma_wait3A_23 = arith.constant 0 : i32
        %dma_wait3A_24 = tpu.memref_slice %arg6[%arg0, %dma_wait3A, %dma_wait3A_23] : memref<2x10000x128xf32, #tpu.memory_space<hbm>> -> memref<1x16x128xf32, #tpu.memory_space<hbm>>
        %dma_wait3A_25 = tpu.memref_squeeze %dma_wait3A_24 : memref<1x16x128xf32, #tpu.memory_space<hbm>> -> memref<16x128xf32, #tpu.memory_space<hbm>>
        %dma_wait3A_26 = arith.constant 9984 : i32
        %dma_wait3A_27 = arith.constant 0 : i32
        %dma_wait3A_28 = tpu.memref_slice %arg11[%dma_wait3A_26, %dma_wait3A_27] : memref<10000x128xf32, #tpu.memory_space<vmem_shared>> -> memref<16x128xf32, #tpu.memory_space<vmem_shared>>
        tpu.wait_dma2 semaphore(%run_scoped3A : memref<!tpu.dma_semaphore, #tpu.memory_space<semaphore_mem>>) src(%dma_wait3A_28 : memref<16x128xf32, #tpu.memory_space<vmem_shared>>) dst(%dma_wait3A_25 : memref<16x128xf32, #tpu.memory_space<hbm>>)
        tpu.yield
      }) : () -> ()
    } else {
    }
    return
  }
}

#map = affine_map<(d0, d1) -> (0, 0, 0)>
#map1 = affine_map<(d0, d1) -> (0, 0)>
module attributes {stable_mosaic.version = 14 : i64} {
  func.func @_sc_scatter(%arg0: i32, %arg1: i32, %arg2: memref<32x125x80xi32, #tpu.memory_space<hbm>>, %arg3: memref<32x125x80xi32, #tpu.memory_space<hbm>>, %arg4: memref<10000x128xf32, #tpu.memory_space<hbm>>, %arg5: memref<10000x128xf32, #tpu.memory_space<hbm>>, %arg6: memref<2x10000x128xf32, #tpu.memory_space<hbm>>, %arg7: memref<125x80xi32, #tpu.memory_space<vmem>>, %arg8: memref<125x80xi32, #tpu.memory_space<vmem>>, %arg9: memref<80x128xf32, #tpu.memory_space<vmem>>, %arg10: memref<80x128xf32, #tpu.memory_space<vmem>>, %arg11: memref<10000x128xf32, #tpu.memory_space<vmem_shared>>, %arg12: memref<!tpu.dma_semaphore, #tpu.memory_space<semaphore_mem>>, %arg13: memref<!tpu.dma_semaphore, #tpu.memory_space<semaphore_mem>>) attributes {dimension_semantics = [#tpu.dimension_semantics<core_parallel>, #tpu.dimension_semantics<subcore_parallel>], iteration_bounds = array<i64: 2, 16>, scalar_prefetch = 0 : i64, scratch_operands = 7 : i64, tpu.core_type = #tpu.core_type<sc_vector_subcore>, window_params = [{transform_indices = #map}, {transform_indices = #map}, {transform_indices = #map1}, {transform_indices = #map1}, {transform_indices = #map}]} {
    %mul3A = arith.constant 16 : i32
    %mul3A_0 = arith.muli %arg0, %mul3A : i32
    %add3A = arith.addi %mul3A_0, %arg1 : i32
    "tpu.region"() ({
      %run_scoped3A = tpu.sem_alloc : memref<!tpu.dma_semaphore, #tpu.memory_space<semaphore_mem>>
      %dma_start3A = arith.constant 0 : i32
      %dma_start3A_17 = arith.constant 0 : i32
      %dma_start3A_18 = tpu.memref_slice %arg2[%add3A, %dma_start3A, %dma_start3A_17] : memref<32x125x80xi32, #tpu.memory_space<hbm>> -> memref<1x125x80xi32, #tpu.memory_space<hbm>>
      %dma_start3A_19 = tpu.memref_squeeze %dma_start3A_18 : memref<1x125x80xi32, #tpu.memory_space<hbm>> -> memref<125x80xi32, #tpu.memory_space<hbm>>
      %dma_start3A_20 = arith.constant 0 : i32
      %dma_start3A_21 = arith.constant 0 : i32
      %dma_start3A_22 = tpu.memref_slice %arg2[%add3A, %dma_start3A_20, %dma_start3A_21] : memref<32x125x80xi32, #tpu.memory_space<hbm>> -> memref<1x125x80xi32, #tpu.memory_space<hbm>>
      %dma_start3A_23 = tpu.memref_squeeze %dma_start3A_22 : memref<1x125x80xi32, #tpu.memory_space<hbm>> -> memref<125x80xi32, #tpu.memory_space<hbm>>
      tpu.enqueue_dma source(%dma_start3A_23 : memref<125x80xi32, #tpu.memory_space<hbm>>) target(%arg7 : memref<125x80xi32, #tpu.memory_space<vmem>>) target_semaphore(%run_scoped3A : memref<!tpu.dma_semaphore, #tpu.memory_space<semaphore_mem>>)
      %dma_wait3A = arith.constant 0 : i32
      %dma_wait3A_24 = arith.constant 0 : i32
      %dma_wait3A_25 = tpu.memref_slice %arg2[%add3A, %dma_wait3A, %dma_wait3A_24] : memref<32x125x80xi32, #tpu.memory_space<hbm>> -> memref<1x125x80xi32, #tpu.memory_space<hbm>>
      %dma_wait3A_26 = tpu.memref_squeeze %dma_wait3A_25 : memref<1x125x80xi32, #tpu.memory_space<hbm>> -> memref<125x80xi32, #tpu.memory_space<hbm>>
      %dma_wait3A_27 = arith.constant 0 : i32
      %dma_wait3A_28 = arith.constant 0 : i32
      %dma_wait3A_29 = tpu.memref_slice %arg2[%add3A, %dma_wait3A_27, %dma_wait3A_28] : memref<32x125x80xi32, #tpu.memory_space<hbm>> -> memref<1x125x80xi32, #tpu.memory_space<hbm>>
      %dma_wait3A_30 = tpu.memref_squeeze %dma_wait3A_29 : memref<1x125x80xi32, #tpu.memory_space<hbm>> -> memref<125x80xi32, #tpu.memory_space<hbm>>
      tpu.wait_dma2 semaphore(%run_scoped3A : memref<!tpu.dma_semaphore, #tpu.memory_space<semaphore_mem>>) src(%dma_wait3A_30 : memref<125x80xi32, #tpu.memory_space<hbm>>) dst(%arg7 : memref<125x80xi32, #tpu.memory_space<vmem>>)
      tpu.yield
    }) : () -> ()
    "tpu.region"() ({
      %run_scoped3A = tpu.sem_alloc : memref<!tpu.dma_semaphore, #tpu.memory_space<semaphore_mem>>
      %dma_start3A = arith.constant 0 : i32
      %dma_start3A_17 = arith.constant 0 : i32
      %dma_start3A_18 = tpu.memref_slice %arg3[%add3A, %dma_start3A, %dma_start3A_17] : memref<32x125x80xi32, #tpu.memory_space<hbm>> -> memref<1x125x80xi32, #tpu.memory_space<hbm>>
      %dma_start3A_19 = tpu.memref_squeeze %dma_start3A_18 : memref<1x125x80xi32, #tpu.memory_space<hbm>> -> memref<125x80xi32, #tpu.memory_space<hbm>>
      %dma_start3A_20 = arith.constant 0 : i32
      %dma_start3A_21 = arith.constant 0 : i32
      %dma_start3A_22 = tpu.memref_slice %arg3[%add3A, %dma_start3A_20, %dma_start3A_21] : memref<32x125x80xi32, #tpu.memory_space<hbm>> -> memref<1x125x80xi32, #tpu.memory_space<hbm>>
      %dma_start3A_23 = tpu.memref_squeeze %dma_start3A_22 : memref<1x125x80xi32, #tpu.memory_space<hbm>> -> memref<125x80xi32, #tpu.memory_space<hbm>>
      tpu.enqueue_dma source(%dma_start3A_23 : memref<125x80xi32, #tpu.memory_space<hbm>>) target(%arg8 : memref<125x80xi32, #tpu.memory_space<vmem>>) target_semaphore(%run_scoped3A : memref<!tpu.dma_semaphore, #tpu.memory_space<semaphore_mem>>)
      %dma_wait3A = arith.constant 0 : i32
      %dma_wait3A_24 = arith.constant 0 : i32
      %dma_wait3A_25 = tpu.memref_slice %arg3[%add3A, %dma_wait3A, %dma_wait3A_24] : memref<32x125x80xi32, #tpu.memory_space<hbm>> -> memref<1x125x80xi32, #tpu.memory_space<hbm>>
      %dma_wait3A_26 = tpu.memref_squeeze %dma_wait3A_25 : memref<1x125x80xi32, #tpu.memory_space<hbm>> -> memref<125x80xi32, #tpu.memory_space<hbm>>
      %dma_wait3A_27 = arith.constant 0 : i32
      %dma_wait3A_28 = arith.constant 0 : i32
      %dma_wait3A_29 = tpu.memref_slice %arg3[%add3A, %dma_wait3A_27, %dma_wait3A_28] : memref<32x125x80xi32, #tpu.memory_space<hbm>> -> memref<1x125x80xi32, #tpu.memory_space<hbm>>
      %dma_wait3A_30 = tpu.memref_squeeze %dma_wait3A_29 : memref<1x125x80xi32, #tpu.memory_space<hbm>> -> memref<125x80xi32, #tpu.memory_space<hbm>>
      tpu.wait_dma2 semaphore(%run_scoped3A : memref<!tpu.dma_semaphore, #tpu.memory_space<semaphore_mem>>) src(%dma_wait3A_30 : memref<125x80xi32, #tpu.memory_space<hbm>>) dst(%arg8 : memref<125x80xi32, #tpu.memory_space<vmem>>)
      tpu.yield
    }) : () -> ()
    %mul3A_1 = arith.constant 624 : i32
    %mul3A_2 = arith.muli %arg1, %mul3A_1 : i32
    "tpu.region"() ({
      %run_scoped3A = tpu.sem_alloc : memref<!tpu.dma_semaphore, #tpu.memory_space<semaphore_mem>>
      %dma_start3A = arith.constant 0 : i32
      %dma_start3A_17 = tpu.memref_slice %arg11[%mul3A_2, %dma_start3A] : memref<10000x128xf32, #tpu.memory_space<vmem_shared>> -> memref<624x128xf32, #tpu.memory_space<vmem_shared>>
      %dma_start3A_18 = arith.constant 0 : i32
      %dma_start3A_19 = tpu.memref_slice %arg5[%mul3A_2, %dma_start3A_18] : memref<10000x128xf32, #tpu.memory_space<hbm>> -> memref<624x128xf32, #tpu.memory_space<hbm>>
      tpu.enqueue_dma source(%dma_start3A_19 : memref<624x128xf32, #tpu.memory_space<hbm>>) target(%dma_start3A_17 : memref<624x128xf32, #tpu.memory_space<vmem_shared>>) target_semaphore(%run_scoped3A : memref<!tpu.dma_semaphore, #tpu.memory_space<semaphore_mem>>)
      %dma_wait3A = arith.constant 0 : i32
      %dma_wait3A_20 = tpu.memref_slice %arg11[%mul3A_2, %dma_wait3A] : memref<10000x128xf32, #tpu.memory_space<vmem_shared>> -> memref<624x128xf32, #tpu.memory_space<vmem_shared>>
      %dma_wait3A_21 = arith.constant 0 : i32
      %dma_wait3A_22 = tpu.memref_slice %arg5[%mul3A_2, %dma_wait3A_21] : memref<10000x128xf32, #tpu.memory_space<hbm>> -> memref<624x128xf32, #tpu.memory_space<hbm>>
      tpu.wait_dma2 semaphore(%run_scoped3A : memref<!tpu.dma_semaphore, #tpu.memory_space<semaphore_mem>>) src(%dma_wait3A_22 : memref<624x128xf32, #tpu.memory_space<hbm>>) dst(%dma_wait3A_20 : memref<624x128xf32, #tpu.memory_space<vmem_shared>>)
      tpu.yield
    }) : () -> ()
    %eq3A = arith.constant 0 : i32
    %eq3A_3 = arith.cmpi eq, %arg1, %eq3A : i32
    %convert_element_type3A = arith.extui %eq3A_3 : i1 to i32
    %cond3A = arith.constant 0 : i32
    %cond3A_4 = arith.cmpi ne, %convert_element_type3A, %cond3A : i32
    scf.if %cond3A_4 {
      "tpu.region"() ({
        %run_scoped3A = tpu.sem_alloc : memref<!tpu.dma_semaphore, #tpu.memory_space<semaphore_mem>>
        %dma_start3A = arith.constant 9984 : i32
        %dma_start3A_17 = arith.constant 0 : i32
        %dma_start3A_18 = tpu.memref_slice %arg11[%dma_start3A, %dma_start3A_17] : memref<10000x128xf32, #tpu.memory_space<vmem_shared>> -> memref<16x128xf32, #tpu.memory_space<vmem_shared>>
        %dma_start3A_19 = arith.constant 9984 : i32
        %dma_start3A_20 = arith.constant 0 : i32
        %dma_start3A_21 = tpu.memref_slice %arg5[%dma_start3A_19, %dma_start3A_20] : memref<10000x128xf32, #tpu.memory_space<hbm>> -> memref<16x128xf32, #tpu.memory_space<hbm>>
        tpu.enqueue_dma source(%dma_start3A_21 : memref<16x128xf32, #tpu.memory_space<hbm>>) target(%dma_start3A_18 : memref<16x128xf32, #tpu.memory_space<vmem_shared>>) target_semaphore(%run_scoped3A : memref<!tpu.dma_semaphore, #tpu.memory_space<semaphore_mem>>)
        %dma_wait3A = arith.constant 9984 : i32
        %dma_wait3A_22 = arith.constant 0 : i32
        %dma_wait3A_23 = tpu.memref_slice %arg11[%dma_wait3A, %dma_wait3A_22] : memref<10000x128xf32, #tpu.memory_space<vmem_shared>> -> memref<16x128xf32, #tpu.memory_space<vmem_shared>>
        %dma_wait3A_24 = arith.constant 9984 : i32
        %dma_wait3A_25 = arith.constant 0 : i32
        %dma_wait3A_26 = tpu.memref_slice %arg5[%dma_wait3A_24, %dma_wait3A_25] : memref<10000x128xf32, #tpu.memory_space<hbm>> -> memref<16x128xf32, #tpu.memory_space<hbm>>
        tpu.wait_dma2 semaphore(%run_scoped3A : memref<!tpu.dma_semaphore, #tpu.memory_space<semaphore_mem>>) src(%dma_wait3A_26 : memref<16x128xf32, #tpu.memory_space<hbm>>) dst(%dma_wait3A_23 : memref<16x128xf32, #tpu.memory_space<vmem_shared>>)
        tpu.yield
      }) : () -> ()
    } else {
    }
    %barrier3A = arith.constant 0 : index
    tpu.barrier barrier_id(%barrier3A)
    %scan3A = arith.constant 0 : i32
    %scan3A_5 = arith.constant 0 : i32
    %scan3A_6 = arith.constant 125 : i32
    %scan3A_7 = arith.addi %scan3A_5, %scan3A_6 : i32
    %scan3A_8 = arith.constant 1 : i32
    %scan3A_9 = scf.for %scan3A_17 = %scan3A_5 to %scan3A_7 step %scan3A_8 iter_args(%scan3A_18 = %scan3A) -> (i32)  : i32 {
      %dma_start3A = arith.constant 0 : i32
      %dma_start3A_19 = tpu.memref_slice %arg7[%scan3A_17, %dma_start3A] : memref<125x80xi32, #tpu.memory_space<vmem>> -> memref<1x80xi32, #tpu.memory_space<vmem>>
      %dma_start3A_20 = tpu.memref_squeeze %dma_start3A_19 : memref<1x80xi32, #tpu.memory_space<vmem>> -> memref<80xi32, #tpu.memory_space<vmem>>
      %dma_start3A_21 = arith.constant 0 : i32
      %dma_start3A_22 = arith.constant 0 : i32
      %dma_start3A_23 = tpu.memref_slice %arg4[%dma_start3A_21, %dma_start3A_22] : memref<10000x128xf32, #tpu.memory_space<hbm>> -> memref<10000x128xf32, #tpu.memory_space<hbm>>
      tpu.enqueue_indirect_dma source(%dma_start3A_23 : memref<10000x128xf32, #tpu.memory_space<hbm>>) target(%arg9 : memref<80x128xf32, #tpu.memory_space<vmem>>) offsets(%dma_start3A_20 : memref<80xi32, #tpu.memory_space<vmem>>) semaphore(%arg12 : memref<!tpu.dma_semaphore, #tpu.memory_space<semaphore_mem>>)
      %dma_wait3A = arith.constant 0 : i32
      %dma_wait3A_24 = tpu.memref_slice %arg7[%scan3A_17, %dma_wait3A] : memref<125x80xi32, #tpu.memory_space<vmem>> -> memref<1x80xi32, #tpu.memory_space<vmem>>
      %dma_wait3A_25 = tpu.memref_squeeze %dma_wait3A_24 : memref<1x80xi32, #tpu.memory_space<vmem>> -> memref<80xi32, #tpu.memory_space<vmem>>
      %dma_wait3A_26 = arith.constant 0 : i32
      %dma_wait3A_27 = arith.constant 0 : i32
      %dma_wait3A_28 = tpu.memref_slice %arg4[%dma_wait3A_26, %dma_wait3A_27] : memref<10000x128xf32, #tpu.memory_space<hbm>> -> memref<10000x128xf32, #tpu.memory_space<hbm>>
      tpu.wait_indirect_dma semaphore(%arg12 : memref<!tpu.dma_semaphore, #tpu.memory_space<semaphore_mem>>) src(%dma_wait3A_28 : memref<10000x128xf32, #tpu.memory_space<hbm>>) dst(%arg9 : memref<80x128xf32, #tpu.memory_space<vmem>>)
      "tpu.region"() ({
        %run_scoped3A = tpu.sem_alloc : memref<!tpu.dma_semaphore, #tpu.memory_space<semaphore_mem>>
        %dma_start3A_30 = arith.constant 0 : i32
        %dma_start3A_31 = tpu.memref_slice %arg8[%scan3A_17, %dma_start3A_30] : memref<125x80xi32, #tpu.memory_space<vmem>> -> memref<1x80xi32, #tpu.memory_space<vmem>>
        %dma_start3A_32 = tpu.memref_squeeze %dma_start3A_31 : memref<1x80xi32, #tpu.memory_space<vmem>> -> memref<80xi32, #tpu.memory_space<vmem>>
        %dma_start3A_33 = arith.constant 0 : i32
        %dma_start3A_34 = arith.constant 0 : i32
        %dma_start3A_35 = tpu.memref_slice %arg11[%dma_start3A_33, %dma_start3A_34] : memref<10000x128xf32, #tpu.memory_space<vmem_shared>> -> memref<10000x128xf32, #tpu.memory_space<vmem_shared>>
        tpu.enqueue_indirect_dma source(%arg9 : memref<80x128xf32, #tpu.memory_space<vmem>>) target(%dma_start3A_35 : memref<10000x128xf32, #tpu.memory_space<vmem_shared>>) offsets(%dma_start3A_32 : memref<80xi32, #tpu.memory_space<vmem>>) semaphore(%run_scoped3A : memref<!tpu.dma_semaphore, #tpu.memory_space<semaphore_mem>>) {add = true}
        %dma_wait3A_36 = arith.constant 0 : i32
        %dma_wait3A_37 = tpu.memref_slice %arg8[%scan3A_17, %dma_wait3A_36] : memref<125x80xi32, #tpu.memory_space<vmem>> -> memref<1x80xi32, #tpu.memory_space<vmem>>
        %dma_wait3A_38 = tpu.memref_squeeze %dma_wait3A_37 : memref<1x80xi32, #tpu.memory_space<vmem>> -> memref<80xi32, #tpu.memory_space<vmem>>
        %dma_wait3A_39 = arith.constant 0 : i32
        %dma_wait3A_40 = arith.constant 0 : i32
        %dma_wait3A_41 = tpu.memref_slice %arg11[%dma_wait3A_39, %dma_wait3A_40] : memref<10000x128xf32, #tpu.memory_space<vmem_shared>> -> memref<10000x128xf32, #tpu.memory_space<vmem_shared>>
        tpu.wait_indirect_dma semaphore(%run_scoped3A : memref<!tpu.dma_semaphore, #tpu.memory_space<semaphore_mem>>) src(%arg9 : memref<80x128xf32, #tpu.memory_space<vmem>>) dst(%dma_wait3A_41 : memref<10000x128xf32, #tpu.memory_space<vmem_shared>>)
        tpu.yield
      }) : () -> ()
      %scan3A_29 = arith.constant 0 : i32
      scf.yield %scan3A_29 : i32
    }
    %scan3A_10 = arith.constant 125 : i32
    %barrier3A_11 = arith.constant 0 : index
    tpu.barrier barrier_id(%barrier3A_11)
    "tpu.region"() ({
      %run_scoped3A = tpu.sem_alloc : memref<!tpu.dma_semaphore, #tpu.memory_space<semaphore_mem>>
      %dma_start3A = arith.constant 0 : i32
      %dma_start3A_17 = tpu.memref_slice %arg6[%arg0, %mul3A_2, %dma_start3A] : memref<2x10000x128xf32, #tpu.memory_space<hbm>> -> memref<1x624x128xf32, #tpu.memory_space<hbm>>
      %dma_start3A_18 = tpu.memref_squeeze %dma_start3A_17 : memref<1x624x128xf32, #tpu.memory_space<hbm>> -> memref<624x128xf32, #tpu.memory_space<hbm>>
      %dma_start3A_19 = arith.constant 0 : i32
      %dma_start3A_20 = tpu.memref_slice %arg11[%mul3A_2, %dma_start3A_19] : memref<10000x128xf32, #tpu.memory_space<vmem_shared>> -> memref<624x128xf32, #tpu.memory_space<vmem_shared>>
      tpu.enqueue_dma source(%dma_start3A_20 : memref<624x128xf32, #tpu.memory_space<vmem_shared>>) target(%dma_start3A_18 : memref<624x128xf32, #tpu.memory_space<hbm>>) target_semaphore(%run_scoped3A : memref<!tpu.dma_semaphore, #tpu.memory_space<semaphore_mem>>)
      %dma_wait3A = arith.constant 0 : i32
      %dma_wait3A_21 = tpu.memref_slice %arg6[%arg0, %mul3A_2, %dma_wait3A] : memref<2x10000x128xf32, #tpu.memory_space<hbm>> -> memref<1x624x128xf32, #tpu.memory_space<hbm>>
      %dma_wait3A_22 = tpu.memref_squeeze %dma_wait3A_21 : memref<1x624x128xf32, #tpu.memory_space<hbm>> -> memref<624x128xf32, #tpu.memory_space<hbm>>
      %dma_wait3A_23 = arith.constant 0 : i32
      %dma_wait3A_24 = tpu.memref_slice %arg11[%mul3A_2, %dma_wait3A_23] : memref<10000x128xf32, #tpu.memory_space<vmem_shared>> -> memref<624x128xf32, #tpu.memory_space<vmem_shared>>
      tpu.wait_dma2 semaphore(%run_scoped3A : memref<!tpu.dma_semaphore, #tpu.memory_space<semaphore_mem>>) src(%dma_wait3A_24 : memref<624x128xf32, #tpu.memory_space<vmem_shared>>) dst(%dma_wait3A_22 : memref<624x128xf32, #tpu.memory_space<hbm>>)
      tpu.yield
    }) : () -> ()
    %eq3A_12 = arith.constant 0 : i32
    %eq3A_13 = arith.cmpi eq, %arg1, %eq3A_12 : i32
    %convert_element_type3A_14 = arith.extui %eq3A_13 : i1 to i32
    %cond3A_15 = arith.constant 0 : i32
    %cond3A_16 = arith.cmpi ne, %convert_element_type3A_14, %cond3A_15 : i32
    scf.if %cond3A_16 {
      "tpu.region"() ({
        %run_scoped3A = tpu.sem_alloc : memref<!tpu.dma_semaphore, #tpu.memory_space<semaphore_mem>>
        %dma_start3A = arith.constant 9984 : i32
        %dma_start3A_17 = arith.constant 0 : i32
        %dma_start3A_18 = tpu.memref_slice %arg6[%arg0, %dma_start3A, %dma_start3A_17] : memref<2x10000x128xf32, #tpu.memory_space<hbm>> -> memref<1x16x128xf32, #tpu.memory_space<hbm>>
        %dma_start3A_19 = tpu.memref_squeeze %dma_start3A_18 : memref<1x16x128xf32, #tpu.memory_space<hbm>> -> memref<16x128xf32, #tpu.memory_space<hbm>>
        %dma_start3A_20 = arith.constant 9984 : i32
        %dma_start3A_21 = arith.constant 0 : i32
        %dma_start3A_22 = tpu.memref_slice %arg11[%dma_start3A_20, %dma_start3A_21] : memref<10000x128xf32, #tpu.memory_space<vmem_shared>> -> memref<16x128xf32, #tpu.memory_space<vmem_shared>>
        tpu.enqueue_dma source(%dma_start3A_22 : memref<16x128xf32, #tpu.memory_space<vmem_shared>>) target(%dma_start3A_19 : memref<16x128xf32, #tpu.memory_space<hbm>>) target_semaphore(%run_scoped3A : memref<!tpu.dma_semaphore, #tpu.memory_space<semaphore_mem>>)
        %dma_wait3A = arith.constant 9984 : i32
        %dma_wait3A_23 = arith.constant 0 : i32
        %dma_wait3A_24 = tpu.memref_slice %arg6[%arg0, %dma_wait3A, %dma_wait3A_23] : memref<2x10000x128xf32, #tpu.memory_space<hbm>> -> memref<1x16x128xf32, #tpu.memory_space<hbm>>
        %dma_wait3A_25 = tpu.memref_squeeze %dma_wait3A_24 : memref<1x16x128xf32, #tpu.memory_space<hbm>> -> memref<16x128xf32, #tpu.memory_space<hbm>>
        %dma_wait3A_26 = arith.constant 9984 : i32
        %dma_wait3A_27 = arith.constant 0 : i32
        %dma_wait3A_28 = tpu.memref_slice %arg11[%dma_wait3A_26, %dma_wait3A_27] : memref<10000x128xf32, #tpu.memory_space<vmem_shared>> -> memref<16x128xf32, #tpu.memory_space<vmem_shared>>
        tpu.wait_dma2 semaphore(%run_scoped3A : memref<!tpu.dma_semaphore, #tpu.memory_space<semaphore_mem>>) src(%dma_wait3A_28 : memref<16x128xf32, #tpu.memory_space<vmem_shared>>) dst(%dma_wait3A_25 : memref<16x128xf32, #tpu.memory_space<hbm>>)
        tpu.yield
      }) : () -> ()
    } else {
    }
    return
  }
}

module attributes {stable_mosaic.version = 14 : i64} {
  func.func @_dense1_body(%arg0: i32, %arg1: memref<1000x128xf32, #tpu.memory_space<vmem>>, %arg2: memref<1000x128xf32, #tpu.memory_space<vmem>>, %arg3: memref<1000x128xf32, #tpu.memory_space<vmem>>, %arg4: memref<128x128xf32, #tpu.memory_space<vmem>>, %arg5: memref<1x128xf32, #tpu.memory_space<vmem>>, %arg6: memref<128x128xf32, #tpu.memory_space<vmem>>, %arg7: memref<1x128xf32, #tpu.memory_space<vmem>>, %arg8: memref<128x32xf32, #tpu.memory_space<vmem>>, %arg9: memref<1x32xf32, #tpu.memory_space<vmem>>, %arg10: memref<128x32xf32, #tpu.memory_space<vmem>>, %arg11: memref<1x32xf32, #tpu.memory_space<vmem>>, %arg12: memref<1000x128xf32, #tpu.memory_space<vmem>>, %arg13: memref<1000x32xf32, #tpu.memory_space<vmem>>) attributes {dimension_semantics = [#tpu.dimension_semantics<arbitrary>], iteration_bounds = array<i64: 10>, scalar_prefetch = 0 : i64, scratch_operands = 0 : i64, tpu.core_type = #tpu.core_type<tc>, window_params = [{transform_indices = @transform_0, window_bounds = array<i64: 1000, 128>}, {transform_indices = @transform_1, window_bounds = array<i64: 1000, 128>}, {transform_indices = @transform_2, window_bounds = array<i64: 1000, 128>}, {pipeline_mode = #tpu.pipeline_mode<synchronous>, transform_indices = @transform_3, window_bounds = array<i64: 128, 128>}, {pipeline_mode = #tpu.pipeline_mode<synchronous>, transform_indices = @transform_4, window_bounds = array<i64: 1, 128>}, {pipeline_mode = #tpu.pipeline_mode<synchronous>, transform_indices = @transform_5, window_bounds = array<i64: 128, 128>}, {pipeline_mode = #tpu.pipeline_mode<synchronous>, transform_indices = @transform_6, window_bounds = array<i64: 1, 128>}, {pipeline_mode = #tpu.pipeline_mode<synchronous>, transform_indices = @transform_7, window_bounds = array<i64: 128, 32>}, {pipeline_mode = #tpu.pipeline_mode<synchronous>, transform_indices = @transform_8, window_bounds = array<i64: 1, 32>}, {pipeline_mode = #tpu.pipeline_mode<synchronous>, transform_indices = @transform_9, window_bounds = array<i64: 128, 32>}, {pipeline_mode = #tpu.pipeline_mode<synchronous>, transform_indices = @transform_10, window_bounds = array<i64: 1, 32>}, {transform_indices = @transform_11, window_bounds = array<i64: 1000, 128>}, {transform_indices = @transform_12, window_bounds = array<i64: 1000, 32>}]} {
    %get3A = arith.constant 0 : index
    %get3A_0 = arith.constant 0 : index
    %get3A_1 = vector.load %arg1[%get3A, %get3A_0] : memref<1000x128xf32, #tpu.memory_space<vmem>>, vector<1000x128xf32>
    %get3A_2 = arith.constant 0 : index
    %get3A_3 = arith.constant 0 : index
    %get3A_4 = vector.load %arg2[%get3A_2, %get3A_3] : memref<1000x128xf32, #tpu.memory_space<vmem>>, vector<1000x128xf32>
    %add3A = arith.addf %get3A_1, %get3A_4 : vector<1000x128xf32>
    %get3A_5 = arith.constant 0 : index
    %get3A_6 = arith.constant 0 : index
    %get3A_7 = vector.load %arg3[%get3A_5, %get3A_6] : memref<1000x128xf32, #tpu.memory_space<vmem>>, vector<1000x128xf32>
    %add3A_8 = arith.addf %add3A, %get3A_7 : vector<1000x128xf32>
    %get3A_9 = arith.constant 0 : index
    %get3A_10 = arith.constant 0 : index
    %get3A_11 = vector.load %arg4[%get3A_9, %get3A_10] : memref<128x128xf32, #tpu.memory_space<vmem>>, vector<128x128xf32>
    %dot_general3A = arith.constant dense<0.000000e+00> : vector<1000x128xf32>
    %dot_general3A_12 = tpu.matmul %add3A_8, %get3A_11, %dot_general3A {dimension_numbers = #tpu.dot_dimension_numbers<[1], [0], [0], [1], [0, 0, 1, 1], [], []>, transpose_lhs_hint = false} : vector<1000x128xf32>, vector<128x128xf32>, vector<1000x128xf32> -> vector<1000x128xf32>
    %get3A_13 = arith.constant 0 : index
    %get3A_14 = arith.constant 0 : index
    %get3A_15 = vector.load %arg5[%get3A_13, %get3A_14] : memref<1x128xf32, #tpu.memory_space<vmem>>, vector<1x128xf32>
    %add3A_16 = vector.broadcast %get3A_15 : vector<1x128xf32> to vector<1000x128xf32>
    %add3A_17 = arith.addf %dot_general3A_12, %add3A_16 : vector<1000x128xf32>
    %max3A = arith.constant 0.000000e+00 : f32
    %max3A_18 = vector.broadcast %max3A : f32 to vector<1000x128xf32>
    %max3A_19 = arith.maximumf %add3A_17, %max3A_18 : vector<1000x128xf32>
    %get3A_20 = arith.constant 0 : index
    %get3A_21 = arith.constant 0 : index
    %get3A_22 = vector.load %arg6[%get3A_20, %get3A_21] : memref<128x128xf32, #tpu.memory_space<vmem>>, vector<128x128xf32>
    %dot_general3A_23 = arith.constant dense<0.000000e+00> : vector<1000x128xf32>
    %dot_general3A_24 = tpu.matmul %max3A_19, %get3A_22, %dot_general3A_23 {dimension_numbers = #tpu.dot_dimension_numbers<[1], [0], [0], [1], [0, 0, 1, 1], [], []>, transpose_lhs_hint = false} : vector<1000x128xf32>, vector<128x128xf32>, vector<1000x128xf32> -> vector<1000x128xf32>
    %get3A_25 = arith.constant 0 : index
    %get3A_26 = arith.constant 0 : index
    %get3A_27 = vector.load %arg7[%get3A_25, %get3A_26] : memref<1x128xf32, #tpu.memory_space<vmem>>, vector<1x128xf32>
    %add3A_28 = vector.broadcast %get3A_27 : vector<1x128xf32> to vector<1000x128xf32>
    %add3A_29 = arith.addf %dot_general3A_24, %add3A_28 : vector<1000x128xf32>
    %max3A_30 = arith.constant 0.000000e+00 : f32
    %max3A_31 = vector.broadcast %max3A_30 : f32 to vector<1000x128xf32>
    %max3A_32 = arith.maximumf %add3A_29, %max3A_31 : vector<1000x128xf32>
    %swap3A = arith.constant 0 : index
    %swap3A_33 = arith.constant 0 : index
    %swap3A_34 = vector.load %arg12[%swap3A, %swap3A_33] : memref<1000x128xf32, #tpu.memory_space<vmem>>, vector<1000x128xf32>
    tpu.vector_store %arg12[%swap3A, %swap3A_33], %max3A_32 {strides = array<i32>} : memref<1000x128xf32, #tpu.memory_space<vmem>>, vector<1000x128xf32>,
    %get3A_35 = arith.constant 0 : index
    %get3A_36 = arith.constant 0 : index
    %get3A_37 = vector.load %arg8[%get3A_35, %get3A_36] : memref<128x32xf32, #tpu.memory_space<vmem>>, vector<128x32xf32>
    %dot_general3A_38 = arith.constant dense<0.000000e+00> : vector<1000x32xf32>
    %dot_general3A_39 = tpu.matmul %get3A_1, %get3A_37, %dot_general3A_38 {dimension_numbers = #tpu.dot_dimension_numbers<[1], [0], [0], [1], [0, 0, 1, 1], [], []>, transpose_lhs_hint = false} : vector<1000x128xf32>, vector<128x32xf32>, vector<1000x32xf32> -> vector<1000x32xf32>
    %get3A_40 = arith.constant 0 : index
    %get3A_41 = arith.constant 0 : index
    %get3A_42 = vector.load %arg9[%get3A_40, %get3A_41] : memref<1x32xf32, #tpu.memory_space<vmem>>, vector<1x32xf32>
    %add3A_43 = vector.broadcast %get3A_42 : vector<1x32xf32> to vector<1000x32xf32>
    %add3A_44 = arith.addf %dot_general3A_39, %add3A_43 : vector<1000x32xf32>
    %get3A_45 = arith.constant 0 : index
    %get3A_46 = arith.constant 0 : index
    %get3A_47 = vector.load %arg10[%get3A_45, %get3A_46] : memref<128x32xf32, #tpu.memory_space<vmem>>, vector<128x32xf32>
    %dot_general3A_48 = arith.constant dense<0.000000e+00> : vector<1000x32xf32>
    %dot_general3A_49 = tpu.matmul %max3A_32, %get3A_47, %dot_general3A_48 {dimension_numbers = #tpu.dot_dimension_numbers<[1], [0], [0], [1], [0, 0, 1, 1], [], []>, transpose_lhs_hint = false} : vector<1000x128xf32>, vector<128x32xf32>, vector<1000x32xf32> -> vector<1000x32xf32>
    %add3A_50 = arith.addf %add3A_44, %dot_general3A_49 : vector<1000x32xf32>
    %get3A_51 = arith.constant 0 : index
    %get3A_52 = arith.constant 0 : index
    %get3A_53 = vector.load %arg11[%get3A_51, %get3A_52] : memref<1x32xf32, #tpu.memory_space<vmem>>, vector<1x32xf32>
    %add3A_54 = vector.broadcast %get3A_53 : vector<1x32xf32> to vector<1000x32xf32>
    %add3A_55 = arith.addf %add3A_50, %add3A_54 : vector<1000x32xf32>
    %swap3A_56 = arith.constant 0 : index
    %swap3A_57 = arith.constant 0 : index
    %swap3A_58 = vector.load %arg13[%swap3A_56, %swap3A_57] : memref<1000x32xf32, #tpu.memory_space<vmem>>, vector<1000x32xf32>
    tpu.vector_store %arg13[%swap3A_56, %swap3A_57], %add3A_55 {strides = array<i32>} : memref<1000x32xf32, #tpu.memory_space<vmem>>, vector<1000x32xf32>,
    return
  }
  func.func @transform_0(%arg0: i32) -> (i32, i32) {
    %c0_i32 = arith.constant 0 : i32
    %c0_i32_0 = arith.constant 0 : i32
    return %arg0, %c0_i32 : i32, i32
  }
  func.func @transform_1(%arg0: i32) -> (i32, i32) {
    %c0_i32 = arith.constant 0 : i32
    %c0_i32_0 = arith.constant 0 : i32
    return %arg0, %c0_i32 : i32, i32
  }
  func.func @transform_2(%arg0: i32) -> (i32, i32) {
    %c0_i32 = arith.constant 0 : i32
    %c0_i32_0 = arith.constant 0 : i32
    return %arg0, %c0_i32 : i32, i32
  }
  func.func @transform_3(%arg0: i32) -> (i32, i32) {
    %c0_i32 = arith.constant 0 : i32
    %c0_i32_0 = arith.constant 0 : i32
    %c0_i32_1 = arith.constant 0 : i32
    return %c0_i32, %c0_i32_0 : i32, i32
  }
  func.func @transform_4(%arg0: i32) -> (i32, i32) {
    %c0_i32 = arith.constant 0 : i32
    %c0_i32_0 = arith.constant 0 : i32
    %c0_i32_1 = arith.constant 0 : i32
    return %c0_i32, %c0_i32_0 : i32, i32
  }
  func.func @transform_5(%arg0: i32) -> (i32, i32) {
    %c0_i32 = arith.constant 0 : i32
    %c0_i32_0 = arith.constant 0 : i32
    %c0_i32_1 = arith.constant 0 : i32
    return %c0_i32, %c0_i32_0 : i32, i32
  }
  func.func @transform_6(%arg0: i32) -> (i32, i32) {
    %c0_i32 = arith.constant 0 : i32
    %c0_i32_0 = arith.constant 0 : i32
    %c0_i32_1 = arith.constant 0 : i32
    return %c0_i32, %c0_i32_0 : i32, i32
  }
  func.func @transform_7(%arg0: i32) -> (i32, i32) {
    %c0_i32 = arith.constant 0 : i32
    %c0_i32_0 = arith.constant 0 : i32
    %c0_i32_1 = arith.constant 0 : i32
    return %c0_i32, %c0_i32_0 : i32, i32
  }
  func.func @transform_8(%arg0: i32) -> (i32, i32) {
    %c0_i32 = arith.constant 0 : i32
    %c0_i32_0 = arith.constant 0 : i32
    %c0_i32_1 = arith.constant 0 : i32
    return %c0_i32, %c0_i32_0 : i32, i32
  }
  func.func @transform_9(%arg0: i32) -> (i32, i32) {
    %c0_i32 = arith.constant 0 : i32
    %c0_i32_0 = arith.constant 0 : i32
    %c0_i32_1 = arith.constant 0 : i32
    return %c0_i32, %c0_i32_0 : i32, i32
  }
  func.func @transform_10(%arg0: i32) -> (i32, i32) {
    %c0_i32 = arith.constant 0 : i32
    %c0_i32_0 = arith.constant 0 : i32
    %c0_i32_1 = arith.constant 0 : i32
    return %c0_i32, %c0_i32_0 : i32, i32
  }
  func.func @transform_11(%arg0: i32) -> (i32, i32) {
    %c0_i32 = arith.constant 0 : i32
    %c0_i32_0 = arith.constant 0 : i32
    return %arg0, %c0_i32 : i32, i32
  }
  func.func @transform_12(%arg0: i32) -> (i32, i32) {
    %c0_i32 = arith.constant 0 : i32
    %c0_i32_0 = arith.constant 0 : i32
    return %arg0, %c0_i32 : i32, i32
  }
}

module attributes {stable_mosaic.version = 14 : i64} {
  func.func @_dense2_body(%arg0: i32, %arg1: memref<1000x128xf32, #tpu.memory_space<vmem>>, %arg2: memref<1000x128xf32, #tpu.memory_space<vmem>>, %arg3: memref<1000x128xf32, #tpu.memory_space<vmem>>, %arg4: memref<128x128xf32, #tpu.memory_space<vmem>>, %arg5: memref<1x128xf32, #tpu.memory_space<vmem>>, %arg6: memref<128x128xf32, #tpu.memory_space<vmem>>, %arg7: memref<1x128xf32, #tpu.memory_space<vmem>>, %arg8: memref<128x32xf32, #tpu.memory_space<vmem>>, %arg9: memref<1x32xf32, #tpu.memory_space<vmem>>, %arg10: memref<1000x32xf32, #tpu.memory_space<vmem>>, %arg11: memref<1000x32xf32, #tpu.memory_space<vmem>>) attributes {dimension_semantics = [#tpu.dimension_semantics<arbitrary>], iteration_bounds = array<i64: 10>, scalar_prefetch = 0 : i64, scratch_operands = 0 : i64, tpu.core_type = #tpu.core_type<tc>, window_params = [{transform_indices = @transform_0, window_bounds = array<i64: 1000, 128>}, {transform_indices = @transform_1, window_bounds = array<i64: 1000, 128>}, {transform_indices = @transform_2, window_bounds = array<i64: 1000, 128>}, {pipeline_mode = #tpu.pipeline_mode<synchronous>, transform_indices = @transform_3, window_bounds = array<i64: 128, 128>}, {pipeline_mode = #tpu.pipeline_mode<synchronous>, transform_indices = @transform_4, window_bounds = array<i64: 1, 128>}, {pipeline_mode = #tpu.pipeline_mode<synchronous>, transform_indices = @transform_5, window_bounds = array<i64: 128, 128>}, {pipeline_mode = #tpu.pipeline_mode<synchronous>, transform_indices = @transform_6, window_bounds = array<i64: 1, 128>}, {pipeline_mode = #tpu.pipeline_mode<synchronous>, transform_indices = @transform_7, window_bounds = array<i64: 128, 32>}, {pipeline_mode = #tpu.pipeline_mode<synchronous>, transform_indices = @transform_8, window_bounds = array<i64: 1, 32>}, {transform_indices = @transform_9, window_bounds = array<i64: 1000, 32>}, {transform_indices = @transform_10, window_bounds = array<i64: 1000, 32>}]} {
    %get3A = arith.constant 0 : index
    %get3A_0 = arith.constant 0 : index
    %get3A_1 = vector.load %arg1[%get3A, %get3A_0] : memref<1000x128xf32, #tpu.memory_space<vmem>>, vector<1000x128xf32>
    %get3A_2 = arith.constant 0 : index
    %get3A_3 = arith.constant 0 : index
    %get3A_4 = vector.load %arg2[%get3A_2, %get3A_3] : memref<1000x128xf32, #tpu.memory_space<vmem>>, vector<1000x128xf32>
    %add3A = arith.addf %get3A_1, %get3A_4 : vector<1000x128xf32>
    %get3A_5 = arith.constant 0 : index
    %get3A_6 = arith.constant 0 : index
    %get3A_7 = vector.load %arg3[%get3A_5, %get3A_6] : memref<1000x128xf32, #tpu.memory_space<vmem>>, vector<1000x128xf32>
    %add3A_8 = arith.addf %add3A, %get3A_7 : vector<1000x128xf32>
    %get3A_9 = arith.constant 0 : index
    %get3A_10 = arith.constant 0 : index
    %get3A_11 = vector.load %arg4[%get3A_9, %get3A_10] : memref<128x128xf32, #tpu.memory_space<vmem>>, vector<128x128xf32>
    %dot_general3A = arith.constant dense<0.000000e+00> : vector<1000x128xf32>
    %dot_general3A_12 = tpu.matmul %add3A_8, %get3A_11, %dot_general3A {dimension_numbers = #tpu.dot_dimension_numbers<[1], [0], [0], [1], [0, 0, 1, 1], [], []>, transpose_lhs_hint = false} : vector<1000x128xf32>, vector<128x128xf32>, vector<1000x128xf32> -> vector<1000x128xf32>
    %get3A_13 = arith.constant 0 : index
    %get3A_14 = arith.constant 0 : index
    %get3A_15 = vector.load %arg5[%get3A_13, %get3A_14] : memref<1x128xf32, #tpu.memory_space<vmem>>, vector<1x128xf32>
    %add3A_16 = vector.broadcast %get3A_15 : vector<1x128xf32> to vector<1000x128xf32>
    %add3A_17 = arith.addf %dot_general3A_12, %add3A_16 : vector<1000x128xf32>
    %max3A = arith.constant 0.000000e+00 : f32
    %max3A_18 = vector.broadcast %max3A : f32 to vector<1000x128xf32>
    %max3A_19 = arith.maximumf %add3A_17, %max3A_18 : vector<1000x128xf32>
    %get3A_20 = arith.constant 0 : index
    %get3A_21 = arith.constant 0 : index
    %get3A_22 = vector.load %arg6[%get3A_20, %get3A_21] : memref<128x128xf32, #tpu.memory_space<vmem>>, vector<128x128xf32>
    %dot_general3A_23 = arith.constant dense<0.000000e+00> : vector<1000x128xf32>
    %dot_general3A_24 = tpu.matmul %max3A_19, %get3A_22, %dot_general3A_23 {dimension_numbers = #tpu.dot_dimension_numbers<[1], [0], [0], [1], [0, 0, 1, 1], [], []>, transpose_lhs_hint = false} : vector<1000x128xf32>, vector<128x128xf32>, vector<1000x128xf32> -> vector<1000x128xf32>
    %get3A_25 = arith.constant 0 : index
    %get3A_26 = arith.constant 0 : index
    %get3A_27 = vector.load %arg7[%get3A_25, %get3A_26] : memref<1x128xf32, #tpu.memory_space<vmem>>, vector<1x128xf32>
    %add3A_28 = vector.broadcast %get3A_27 : vector<1x128xf32> to vector<1000x128xf32>
    %add3A_29 = arith.addf %dot_general3A_24, %add3A_28 : vector<1000x128xf32>
    %max3A_30 = arith.constant 0.000000e+00 : f32
    %max3A_31 = vector.broadcast %max3A_30 : f32 to vector<1000x128xf32>
    %max3A_32 = arith.maximumf %add3A_29, %max3A_31 : vector<1000x128xf32>
    %get3A_33 = arith.constant 0 : index
    %get3A_34 = arith.constant 0 : index
    %get3A_35 = vector.load %arg10[%get3A_33, %get3A_34] : memref<1000x32xf32, #tpu.memory_space<vmem>>, vector<1000x32xf32>
    %get3A_36 = arith.constant 0 : index
    %get3A_37 = arith.constant 0 : index
    %get3A_38 = vector.load %arg8[%get3A_36, %get3A_37] : memref<128x32xf32, #tpu.memory_space<vmem>>, vector<128x32xf32>
    %dot_general3A_39 = arith.constant dense<0.000000e+00> : vector<1000x32xf32>
    %dot_general3A_40 = tpu.matmul %max3A_32, %get3A_38, %dot_general3A_39 {dimension_numbers = #tpu.dot_dimension_numbers<[1], [0], [0], [1], [0, 0, 1, 1], [], []>, transpose_lhs_hint = false} : vector<1000x128xf32>, vector<128x32xf32>, vector<1000x32xf32> -> vector<1000x32xf32>
    %add3A_41 = arith.addf %get3A_35, %dot_general3A_40 : vector<1000x32xf32>
    %get3A_42 = arith.constant 0 : index
    %get3A_43 = arith.constant 0 : index
    %get3A_44 = vector.load %arg9[%get3A_42, %get3A_43] : memref<1x32xf32, #tpu.memory_space<vmem>>, vector<1x32xf32>
    %add3A_45 = vector.broadcast %get3A_44 : vector<1x32xf32> to vector<1000x32xf32>
    %add3A_46 = arith.addf %add3A_41, %add3A_45 : vector<1000x32xf32>
    %swap3A = arith.constant 0 : index
    %swap3A_47 = arith.constant 0 : index
    %swap3A_48 = vector.load %arg11[%swap3A, %swap3A_47] : memref<1000x32xf32, #tpu.memory_space<vmem>>, vector<1000x32xf32>
    tpu.vector_store %arg11[%swap3A, %swap3A_47], %add3A_46 {strides = array<i32>} : memref<1000x32xf32, #tpu.memory_space<vmem>>, vector<1000x32xf32>,
    return
  }
  func.func @transform_0(%arg0: i32) -> (i32, i32) {
    %c0_i32 = arith.constant 0 : i32
    %c0_i32_0 = arith.constant 0 : i32
    return %arg0, %c0_i32 : i32, i32
  }
  func.func @transform_1(%arg0: i32) -> (i32, i32) {
    %c0_i32 = arith.constant 0 : i32
    %c0_i32_0 = arith.constant 0 : i32
    return %arg0, %c0_i32 : i32, i32
  }
  func.func @transform_2(%arg0: i32) -> (i32, i32) {
    %c0_i32 = arith.constant 0 : i32
    %c0_i32_0 = arith.constant 0 : i32
    return %arg0, %c0_i32 : i32, i32
  }
  func.func @transform_3(%arg0: i32) -> (i32, i32) {
    %c0_i32 = arith.constant 0 : i32
    %c0_i32_0 = arith.constant 0 : i32
    %c0_i32_1 = arith.constant 0 : i32
    return %c0_i32, %c0_i32_0 : i32, i32
  }
  func.func @transform_4(%arg0: i32) -> (i32, i32) {
    %c0_i32 = arith.constant 0 : i32
    %c0_i32_0 = arith.constant 0 : i32
    %c0_i32_1 = arith.constant 0 : i32
    return %c0_i32, %c0_i32_0 : i32, i32
  }
  func.func @transform_5(%arg0: i32) -> (i32, i32) {
    %c0_i32 = arith.constant 0 : i32
    %c0_i32_0 = arith.constant 0 : i32
    %c0_i32_1 = arith.constant 0 : i32
    return %c0_i32, %c0_i32_0 : i32, i32
  }
  func.func @transform_6(%arg0: i32) -> (i32, i32) {
    %c0_i32 = arith.constant 0 : i32
    %c0_i32_0 = arith.constant 0 : i32
    %c0_i32_1 = arith.constant 0 : i32
    return %c0_i32, %c0_i32_0 : i32, i32
  }
  func.func @transform_7(%arg0: i32) -> (i32, i32) {
    %c0_i32 = arith.constant 0 : i32
    %c0_i32_0 = arith.constant 0 : i32
    %c0_i32_1 = arith.constant 0 : i32
    return %c0_i32, %c0_i32_0 : i32, i32
  }
  func.func @transform_8(%arg0: i32) -> (i32, i32) {
    %c0_i32 = arith.constant 0 : i32
    %c0_i32_0 = arith.constant 0 : i32
    %c0_i32_1 = arith.constant 0 : i32
    return %c0_i32, %c0_i32_0 : i32, i32
  }
  func.func @transform_9(%arg0: i32) -> (i32, i32) {
    %c0_i32 = arith.constant 0 : i32
    %c0_i32_0 = arith.constant 0 : i32
    return %arg0, %c0_i32 : i32, i32
  }
  func.func @transform_10(%arg0: i32) -> (i32, i32) {
    %c0_i32 = arith.constant 0 : i32
    %c0_i32_0 = arith.constant 0 : i32
    return %arg0, %c0_i32 : i32, i32
  }
}

</mosaic_0001>

<sc_bundles>
// kernel: kernel.6.cloned.1.call-start
scs
__scs_entry_jumppad:
0x0: {  	(pc) =	sbr.rel $0x88, $3  }
0x1: {  	(tag) =	ssettag $0x0;
	lr =	simm.s32 $0x1  }
0x2: {  	[smem:$0x3F91] =	sst lr;
	_ =	strace $0xD0000000  }
0x3: {  	_ = 	snop  }
0x4: {  	_ = 	snop  }
0x5: {  	_ = 	snop  }
0x6: {  	_ = 	snop  }
0x7: {  	_ = 	snop  }
__scs_overlays_trampoline_lowered:
0x8: {  	[smem:$0x3FA0] =	sst s0  }
0x9: {  	[smem:$0x3FA1] =	sst s1  }
0xa: {  	[smem:$0x3FA2] =	sst s2  }
0xb: {  	[smem:$0x3FA3] =	sst s3  }
0xc: {  	[smem:$0x3FA4] =	sst s4  }
0xd: {  	[smem:$0x3FA5] =	sst s5  }
0xe: {  	[smem:$0x3FA6] =	sst s6  }
0xf: {  	[smem:$0x3FA7] =	sst s7  }
0x10: {  	[smem:$0x3FA8] =	sst s8  }
0x11: {  	[smem:$0x3FA9] =	sst s9;
	s0 =	simm.s32 @!p0 $0x0  }
0x12: {  	s1 =	sld [smem:$0x3F8F];
	s0 =	simm.s32 @p0 $0x1  }
0x13: {  	[smem:$0x3FAA] =	sst s0;
	s0 =	simm.s32 @!p1 $0x0  }
0x14: {  	s2 =	sld [smem:$0x3F8E];
	s0 =	simm.s32 @p1 $0x1  }
0x15: {  	[smem:$0x3FAB] =	sst s0;
	s0 =	simm.s32 @!p2 $0x0  }
0x16: {  	s3 =	sld [smem:$0x3FDB];
	s0 =	simm.s32 @p2 $0x1  }
0x17: {  	s4 =	simm.s32 $0x1BF5;
	[smem:$0x3FAD] =	sst s0  }
0x18: {  	s0 =	sld [smem:$0x3F90];
	_ =	swait.ge [sflag:s4], $0x0  }
0x19: {  	s7 =	sld [smem:$0x3F91]  }
0x1a: {  	s8 =	sadd.s32 $0xFFFFE003, lr  }
0x1b: {  	s9 =	sadd.s32 $0xFFFFFEF7, lr;
	s5 =	simm.s32 $0xFFFFFFFF;
	p2 =	slt.u32 s8, $0xFFFFF086  }
0x1c: {  	p1 =	slt.u32 s9, $0xF7A;
	s5 =	simm.s32 @!p2 $0x0  }
0x1d: {  	s5 =	simm.s32 @p1 $0x1;
	p0 =	seq.s32 s7, s2  }
0x1e: {  	s7 =	smul.u32 @!p0 $0xF7A, s2;
	p2 =	seq.s32 @!p0 s5, $0x0  }
0x1f: {  	s9 =	smul.u32 $0xF7A, s1;
	s8 =	simm.s32 @!p0 $0x1BF5;
	p2 =	por !p2, p0  }
0x20: {  	[sflag:s8] =	ssyncset.s32 @!p0 $0xFFFFF086;
	s6 =	sadd.s32 @!p0 s3, s7;
	s7 =	simm.s32 @!p0 $0x108  }
0x21: {  	s3 =	sadd.s32 s3, s9;
	s6 =	sadd.s32 @!p0 $0x88, s6;
	s7 =	simm.s32 @p2 $0x1082  }
0x22: {  	[simem:s7], [sflag:s8] =	dma.local @!p0 [hbm:s6], $0xF7A  }
0x23: {  	s9 =	sor.u32 $0xD0000000, s2;
	s6 =	simm.s32 $0x108;
	_ =	swait.ge @!p0 [sflag:s8], $0x0  }
0x24: {  	s3 =	sadd.s32 $0x88, s3;
	s6 =	simm.s32 @!p1 $0x1082;
	[sflag:s4] =	ssyncset.s32 $0xFFFFF086  }
0x25: {  	[simem:s6], [sflag:s4] =	dma.local [hbm:s3], $0xF7A  }
0x26: {  	[smem:$0x3F91] =	sst s1;
	(tag) =	ssettag s2;
	_ =	strace s9  }
0x27: {  	s1 =	sld [smem:$0x3FA1]  }
0x28: {  	s2 =	sld [smem:$0x3FA2]  }
0x29: {  	s4 =	sld [smem:$0x3FA4]  }
0x2a: {  	p0 =	seq.s32 s5, $0x0;
	s5 =	sld [smem:$0x3FA5]  }
0x2b: {  	s6 =	sld [smem:$0x3FA6]  }
0x2c: {  	s7 =	sld [smem:$0x3FA7]  }
0x2d: {  	s3 =	simm.s32 $0x108;
	s8 =	sld [smem:$0x3FA8]  }
0x2e: {  	s3 =	simm.s32 @!p0 $0x1082;
	s9 =	sld [smem:$0x3FA9]  }
0x2f: {  	lr =	sadd.s32 s0, s3;
	s0 =	sld [smem:$0x3FA0]  }
0x30: {  	s3 =	sld [smem:$0x3FA3]  }
0x31: {  	[smem:$0x3FAC] =	sst s10  }
0x32: {  	s10 =	sld [smem:$0x3FAA];
	_ =	sdelay $0x3  }
0x33: {  	p0 =	seq.s32 s10, $0x1;
	s10 =	sld [smem:$0x3FAC];
	_ =	sdelay $0x3  }
0x34: {  	[smem:$0x3FAC] =	sst s10  }
0x35: {  	s10 =	sld [smem:$0x3FAB];
	_ =	sdelay $0x3  }
0x36: {  	p1 =	seq.s32 s10, $0x1;
	s10 =	sld [smem:$0x3FAC];
	_ =	sdelay $0x3  }
0x37: {  	[smem:$0x3FAC] =	sst s10  }
0x38: {  	s10 =	sld [smem:$0x3FAD]  }
0x39: {  	_ = 	snop;
	(pc) =	sbr.ind lr, $3  }
0x3a: {  	_ = 	snop  }
0x3b: {  	_ = 	snop  }
0x3c: {  	p2 =	seq.s32 s10, $0x1;
	s10 =	sld [smem:$0x3FAC]  }
0x3d: {  	_ =	shalt  }
0x3e: {  	_ =	shalt  }
0x3f: {  	_ =	shalt  }
0x40: {  	_ =	shalt  }
0x41: {  	_ =	shalt  }
0x42: {  	_ =	shalt  }
0x43: {  	_ =	shalt  }
0x44: {  	_ =	shalt  }
0x45: {  	_ =	shalt  }
0x46: {  	_ =	shalt  }
0x47: {  	_ =	shalt  }
0x48: {  	_ =	shalt  }
0x49: {  	_ =	shalt  }
0x4a: {  	_ =	shalt  }
0x4b: {  	_ =	shalt  }
0x4c: {  	_ =	shalt  }
0x4d: {  	_ =	shalt  }
0x4e: {  	_ =	shalt  }
0x4f: {  	_ =	shalt  }
0x50: {  	_ =	shalt  }
0x51: {  	_ =	shalt  }
0x52: {  	_ =	shalt  }
0x53: {  	_ =	shalt  }
0x54: {  	_ =	shalt  }
0x55: {  	_ =	shalt  }
0x56: {  	_ =	shalt  }
0x57: {  	_ =	shalt  }
0x58: {  	_ =	shalt  }
0x59: {  	_ =	shalt  }
0x5a: {  	_ =	shalt  }
0x5b: {  	_ =	shalt  }
0x5c: {  	_ =	shalt  }
0x5d: {  	_ =	shalt  }
0x5e: {  	_ =	shalt  }
0x5f: {  	_ =	shalt  }
0x60: {  	_ =	shalt  }
0x61: {  	_ =	shalt  }
0x62: {  	_ =	shalt  }
0x63: {  	_ =	shalt  }
0x64: {  	_ =	shalt  }
0x65: {  	_ =	shalt  }
0x66: {  	_ =	shalt  }
0x67: {  	_ =	shalt  }
0x68: {  	_ =	shalt  }
0x69: {  	_ =	shalt  }
0x6a: {  	_ =	shalt  }
0x6b: {  	_ =	shalt  }
0x6c: {  	_ =	shalt  }
0x6d: {  	_ =	shalt  }
0x6e: {  	_ =	shalt  }
0x6f: {  	_ =	shalt  }
0x70: {  	_ =	shalt  }
0x71: {  	_ =	shalt  }
0x72: {  	_ =	shalt  }
0x73: {  	_ =	shalt  }
0x74: {  	_ =	shalt  }
0x75: {  	_ =	shalt  }
0x76: {  	_ =	shalt  }
0x77: {  	_ =	shalt  }
0x78: {  	_ =	shalt  }
0x79: {  	_ =	shalt  }
0x7a: {  	_ =	shalt  }
0x7b: {  	_ =	shalt  }
0x7c: {  	_ =	shalt  }
0x7d: {  	_ =	shalt  }
0x7e: {  	_ =	shalt  }
0x7f: {  	_ =	shalt  }
0x80: {  	_ =	shalt  }
0x81: {  	_ =	shalt  }
0x82: {  	_ =	shalt  }
0x83: {  	_ =	shalt  }
0x84: {  	_ =	shalt  }
0x85: {  	_ =	shalt  }
0x86: {  	_ =	shalt  }
0x87: {  	_ =	shalt  }
.Lfunc_end0:
.L_simem_size_0:
called_computation_lowered:
.L_overlay_start_0:
0x88: {  	s2 =	sld [smem:$0x3FD9]  }
0x89: {  	s3 =	sld [smem:$0x3FFE];
	_ =	sdelay $0x1  }
0x8a: {  	s1 =	srdreg.scid  }
0x8b: {  	s0 =	sand.u32 $0x1, s1  }
0x8c: {  	s17 =	sshll.u32 s0, $0xA;
	s2 =	sadd.s32 s3, s2  }
0x8d: {  	s2 =	sadd.s32 s2, s17  }
0x8e: {  	[smem:$0x3FB8] =	sst s2  }
0x8f: {  	_ = 	snop  }
0x90: {  	s2 =	sld [smem:$0x3FC9];
	(tm) =	ssettm $0x1  }
0x91: {  	s18 =	sld [smem:$0x3FFB];
	_ =	sdelay $0x3  }
0x92: {  	_ =	strace s18  }
0x93: {  	s3 =	sld [smem:$0x3FFC];
	_ =	sdelay $0x3  }
0x94: {  	_ =	strace s3  }
0x95: {  	s3 =	sld [smem:$0x3FFD];
	_ =	sdelay $0x3  }
0x96: {  	_ =	strace s3  }
0x97: {  	_ =	strace $0x8FFFFFFF  }
0x98: {  	s19 =	sld [smem:$0x3FDB];
	_ =	sdelay $0x1  }
0x99: {  	s4 =	simm.s32 $_scs_section_size  }
0x9a: {  	s5 =	simm.s32 $_size__tile_overlayer_lowered;
	s6 =	simm.s32 $_tile_overlayer_lowered  }
0x9b: {  	s22 =	simm.s32 $0x1BFF;
	s21 =	sshll.u32 s6, $0x1;
	s3 =	sadd.s32 s4, s19  }
0x9c: {  	s7 =	simm.s32 $0x0;
	s20 =	sshll.u32 s5, $0x1;
	s5 =	sadd.s32 s21, s3  }
0x9d: {  	[timem:s7], [sflag:s22] =	dma.local [hbm:s5], s20  }
0x9e: {  	_ =	swait.ge [sflag:s22], s20  }
0x9f: {  	s4 =	ssub.s32 $0x0, s20;
	[sflag:s22] =	ssyncset.done $0x0  }
0xa0: {  	[sflag:s22] =	ssyncadd.s32 s4;
	_ =	sdelay $0x1  }
0xa1: {  	s23 =	simm.s32 $0x1B8B  }
0xa2: {  	_ =	swait.ge [sflag:s23], $0x1  }
0xa3: {  	[sflag:s23] =	ssyncset.done $0x0  }
0xa4: {  	s25 =	simm.s32 $0x1B8E;
	s24 =	sld [smem:$0x3FFE];
	[sflag:s23] =	ssyncadd.s32 $0xFFFFFFFF  }
0xa5: {  	s26 =	simm.s32 $execute0_lowered;
	[smem:$0x3FD2] =	sst s25  }
0xa6: {  	s5 =	sshll.u32 s26, $0x1;
	_ =	strace $0x80000046;
	[dreg:$0x1] =	wrdreg $0xFFFFFFFF  }
0xa7: {  	s28 =	simm.s32 $_size_execute0_lowered;
	s3 =	sadd.s32 s3, s5;
	[dreg:$0x0] =	wrdreg $0x0  }
0xa8: {  	s5 =	sshll.u32 s28, $0x1;
	[dreg:$0x2] =	wrdreg s3  }
0xa9: {  	[dreg:$0x3] =	wrdreg s5  }
0xaa: {  	[dreg:$0x4] =	wrdreg $0xC0  }
0xab: {  	_ =	task [dreg:s7], $0x5FFFF  }
0xac: {  	[dreg:$0x1] =	wrdreg $0xFFFFFFFF  }
0xad: {  	[dreg:$0x0] =	wrdreg $0x60  }
0xae: {  	[dreg:$0x2] =	wrdreg s24  }
0xaf: {  	[dreg:$0x3] =	wrdreg s2  }
0xb0: {  	[dreg:$0x4] =	wrdreg $0xA8000  }
0xb1: {  	[dreg:$0x5] =	wrdreg $0x9  }
0xb2: {  	_ =	task.clear_ibuf [dreg:s7], $0x6FFFF;
	_ =	strace $0x90000046  }
0xb3: {  	s29 =	simm.s32 $0x9;
	_ =	strace $0x80000048  }
0xb4: {  	_ =	swait.ge [sflag:s29], $0x1  }
0xb5: {  	[sflag:s29] =	ssyncadd.s32 $0xFFFFFFFF  }
0xb6: {  	_ =	strace $0x90000048  }
0xb7: {  	_ =	sfence  }
0xb8: {  	s30 =	sld [smem:$0x0];
	_ =	sdelay $0x2  }
0xb9: {  	s31 =	sshll.u32 s1, $0xD;
	s1 =	sshrl.u32 s1, $0x2  }
0xba: {  	s3 =	sand.u32 $0x4000, s31;
	s1 =	sadd.s32 s1, s30  }
0xbb: {  	s0 =	sor.u32 s3, s0;
	s1 =	sshll.u32 s1, $0x11  }
0xbc: {  	s0 =	sor.u32 s1, s0  }
0xbd: {  	s0 =	sadd.s32 $0x8F2B, s0  }
0xbe: {  	[sflag:s0] =	ssyncadd.remote.s32 $0x1  }
0xbf: {  	_ =	sfence.sel $0xFFFF  }
0xc0: {  	[dreg:$0x0] =	wrdreg $0xFFFFFFFF;
	(pc) =	sbr.abs _section_cstart, $3  }
0xc1: {  	[dreg:$0x1] =	wrdreg $0xFFFFFFFF  }
0xc2: {  	_ =	task.clear_ibuf [dreg:s7], $0x2FFFF;
	_ =	strace $0x9FFFFFFF  }
0xc3: {  	(tm) =	ssettm $0x7FFFFFFF  }
tec
execute0_lowered:
.L_overlay_start_1:
0x0: {  	(tag) =	ssettag $0x1  }
0x1: {  	s7 =	rddreg [dreg:$0x0]  }
0x2: {  	s1 =	rddreg [dreg:$0x1]  }
0x3: {  	s2 =	rddreg [dreg:$0x2];
	s3 =	srdreg.scid  }
0x4: {  	s0 =	rddreg [dreg:$0x3];
	s11 =	stileid.u32  }
0x5: {  	s16 =	simm.s32 $0x50;
	s17 =	simm.s32 $0x8000;
	s18 =	simm.s32 $0x1  }
0x6: {  	s19 =	simm.s32 $0x0;
	s4 =	sand.u32 $0x1, s3;
	s8 =	smul.u32 $0x13800, s11  }
0x7: {  	s3 =	simm.s32 $0x0;
	s6 =	sshll.u32 s11, $0xB;
	s10 =	smul.u32 $0x4E000, s11  }
0x8: {  	s12 =	sadd.s32 $0x4A800, s7;
	s15 =	sadd.s32 $0x138000, s2;
	p0 =	sne.s32 s11, $0x0  }
0x9: {  	s31 =	sshll.u32 s11, $0x6;
	s11 =	simm.s32 $0x2;
	s5 =	sshll.u32 s4, $0xF  }
0xa: {  	[smem:$0x7FF] =	sst s3;
	s9 =	ssub.s32 $0x2, s4;
	s29 =	smul.u32 $0x138800, s4  }
0xb: {  	s15 =	sshrl.u32 @!p0 s15, $0x3;
	s5 =	sor.u32 s6, s5;
	_ =	strace $0x80000047  }
0xc: {  	s26 =	sshrl.u32 s8, $0x3;
	s13 =	sshrl.u32 s9, $0x1;
	s28 =	sshrl.u32 s10, $0x2  }
0xd: {  	s5 =	sadd.s32 s5, s7;
	s6 =	sadd.s32 s26, s7;
	s13 =	ssub.s32 s9, s13  }
0xe: {  	s14 =	sadd.s32 s28, s2;
	s8 =	sadd.s32 s8, s29;
	s30 =	sshrl.u32 s29, $0x3  }
0xf: {  	s7 =	sadd.s32 $0x4A600, s7;
	s4 =	sadd.s32 $0x3600, s5;
	s5 =	sadd.s32 $0x13600, s5  }
0x10: {  	s6 =	sadd.s32 $0x23600, s6;
	s8 =	sshrl.u32 s8, $0x3;
	s9 =	sadd.s32 s12, s30  }
0x11: {  	s10 =	smax.u32 s13, $0x1;
	s13 =	sor.u32 $0x1C02, s31;
	s14 =	sshrl.u32 s14, $0x3  }
0x12: {  	s8 =	sadd.s32 s12, s8;
	s9 =	sadd.s32 $0x27000, s9;
	s12 =	simm.s32 $0x4000  }
.LBB2_1:
0x13: {  	[tilespmem:s3], [sflag:$0x2] =	stream.linear.gather [hbm4b:s4+s3], $0x3E80, $0x38;
	[tilespmem:$0x1E080] =	vst v63  }
0x14: {  	_ =	swait.ge [sflag:s11], $0x3E80  }
0x15: {  	[sflag:s11] =	ssyncset.done $0x0  }
0x16: {  	[sflag:s11] =	ssyncadd.s32 $0xFFFFC180  }
0x17: {  	[tilespmem:s12], [sflag:$0x2] =	stream.linear.gather [hbm4b:s5+s3], $0x3E80, $0x38;
	[tilespmem:$0x1E080] =	vst v63  }
0x18: {  	_ =	swait.ge [sflag:s11], $0x3E80  }
0x19: {  	[sflag:s11] =	ssyncset.done $0x0  }
0x1a: {  	[sflag:s11] =	ssyncadd.s32 $0xFFFFC180  }
0x1b: {  	[spmem:s14], [sflag:s13] =	dma.local [hbm:s6], $0x2700  }
0x1c: {  	_ =	swait.ge [sflag:s11], $0x2700  }
0x1d: {  	[sflag:s11] =	ssyncset.done $0x0  }
0x1e: {  	s20 =	simm.s32 @!p0 $0x2;
	[sflag:s11] =	ssyncadd.s32 $0xFFFFD900  }
0x1f: {  	[spmem:s15], [sflag:s13] =	dma.local @!p0 [hbm:s7], $0x100  }
0x20: {  	_ =	swait.ge @!p0 [sflag:s20], $0x100  }
0x21: {  	[sflag:s20] =	ssyncset.done @!p0 $0x0  }
0x22: {  	[sflag:s20] =	ssyncadd.s32 @!p0 $0xFFFFFF00  }
0x23: {  	s30 =	simm.s32 $0x0;
	[bflag:$0x0] =	sbarrier.arrive $0xFFFF  }
0x24: {  	[tilespmem:s17], [sflag:$0x1] =	stream.indirect.gather [hbm4b:s1+s16], $0x80, s30, s16, $0xb8;
	[tilespmem:$0x1E080] =	vst v63  }
0x25: {  	_ =	swait.ge [sflag:s18], $0x2800  }
0x26: {  	[sflag:s18] =	ssyncset.done $0x0  }
0x27: {  	s31 =	simm.s32 $0x4000;
	[sflag:s18] =	ssyncadd.s32 $0xFFFFD800  }
0x28: {  	[spmem:s2] =	stream.indirect.scatter.add.f32 [tilespmem:s17], [sflag:$0x2], $0x80, s31, s16, $0xb8;
	[tilespmem:$0x1E080] =	vst v63  }
0x29: {  	_ =	swait.ge [sflag:s11], $0x2800  }
0x2a: {  	s21 =	simm.s32 $0x400;
	s20 =	simm.s32 $0x200;
	[sflag:s11] =	ssyncset.done $0x0  }
.LBB2_2:
0x2b: {  	s22 =	sshra.s32 s20, $0x2  }
0x2c: {  	[sflag:s11] =	ssyncadd.s32 $0xFFFFD800;
	s20 =	smov.u32 s21;
	s23 =	sadd.s32 $0x200, s21  }
0x2d: {  	[tilespmem:s17], [sflag:$0x1] =	stream.indirect.gather [hbm4b:s1+s16], $0x80, s22, s16, $0xb8;
	[tilespmem:$0x1E080] =	vst v63  }
0x2e: {  	p1 =	sne.s32 s21, $0xF800;
	_ =	swait.ge [sflag:s18], $0x2800  }
.Ltmp0:
0x2f: {  	[sflag:s18] =	ssyncset.done $0x0;
	(pc) =	sbr.rel @p1 .LBB2_2-.Ltmp0, $4  }
0x30: {  	s21 =	sadd.s32 $0x4000, s22;
	[sflag:s18] =	ssyncadd.s32 $0xFFFFD800  }
0x31: {  	[spmem:s2] =	stream.indirect.scatter.add.f32 [tilespmem:s17], [sflag:$0x2], $0x80, s21, s16, $0xb8;
	[tilespmem:$0x1E080] =	vst v63  }
0x32: {  	_ =	swait.ge [sflag:s11], $0x2800  }
0x33: {  	s21 =	smov.u32 s23;
	[sflag:s11] =	ssyncset.done $0x0  }
0x34: {  	s20 =	sshra.s32 s20, $0x2;
	[sflag:s11] =	ssyncadd.s32 $0xFFFFD800  }
0x35: {  	[tilespmem:s17], [sflag:$0x1] =	stream.indirect.gather [hbm4b:s1+s16], $0x80, s20, s16, $0xb8;
	[tilespmem:$0x1E080] =	vst v63  }
0x36: {  	_ =	swait.ge [sflag:s18], $0x2800  }
0x37: {  	[sflag:s18] =	ssyncset.done $0x0  }
0x38: {  	s20 =	sadd.s32 $0x4000, s20;
	[sflag:s18] =	ssyncadd.s32 $0xFFFFD800  }
0x39: {  	[spmem:s2] =	stream.indirect.scatter.add.f32 [tilespmem:s17], [sflag:$0x2], $0x80, s20, s16, $0xb8;
	[tilespmem:$0x1E080] =	vst v63  }
0x3a: {  	_ =	swait.ge [sflag:s11], $0x2800  }
0x3b: {  	[sflag:s11] =	ssyncset.done $0x0  }
0x3c: {  	[sflag:s11] =	ssyncadd.s32 $0xFFFFD800  }
0x3d: {  	[bflag:$0x0] =	sbarrier.arrive $0xFFFF  }
0x3e: {  	[hbm:s8], [sflag:s13] =	dma.local [spmem:s14], $0x2700  }
0x3f: {  	s19 =	sadd.s32 $0x1, s19;
	_ =	swait.ge [sflag:s11], $0x2700  }
0x40: {  	p1 =	sne.s32 s19, s10;
	[sflag:s11] =	ssyncset.done $0x0  }
.Ltmp1:
0x41: {  	s20 =	simm.s32 @!p0 $0x2;
	[sflag:s11] =	ssyncadd.s32 $0xFFFFD900;
	(pc) =	sbr.rel @p1 .LBB2_1-.Ltmp1, $4  }
0x42: {  	[hbm:s9], [sflag:s13] =	dma.local @!p0 [spmem:s15], $0x100  }
0x43: {  	_ =	swait.ge @!p0 [sflag:s20], $0x100  }
0x44: {  	[sflag:s20] =	ssyncset.done @!p0 $0x0  }
0x45: {  	[sflag:s20] =	ssyncadd.s32 @!p0 $0xFFFFFF00  }
0x46: {  	_ =	sfence.sel $0x180000  }
0x47: {  	[bflag:$0x0] =	sbarrier.arrive $0xFFFF  }
0x48: {  	_ =	strace $0x90000047  }
0x49: {  	s0 =	sadd.s32 @!p0 $0x100000, s0;
	[bflag:$0x2] =	sbarrier.arrive $0xFFFF  }
0x4a: {  	[sflag:s0] =	ssyncadd.tile.s32 @!p0 $0x1;
	_ =	shalt  }
.Lfunc_end2:
_tile_overlayer_lowered:
.L_overlay_start_2:
0x4b: {  	(tag) =	ssettag $0x2  }
0x4c: {  	s0 =	rddreg [dreg:$0x0];
	s2 =	stileid.u32  }
0x4d: {  	s1 =	rddreg [dreg:$0x1];
	p0 =	sne.s32 s2, $0x0  }
0x4e: {  	s3 =	rddreg [dreg:$0x2];
	[bflag:$0x3] =	sbarrier.arrive $0xFFFF;
	s2 =	simm.s32 @!p0 $0x1C02  }
0x4f: {  	[timem:s3], [sflag:s2] =	dma.local @!p0 [hbm:s0], s1  }
0x50: {  	s0 =	simm.s32 @!p0 $0x2  }
0x51: {  	_ =	swait.ge @!p0 [sflag:s0], s1  }
0x52: {  	s1 =	ssub.s32 @!p0 $0x0, s1;
	[sflag:s0] =	ssyncset.done @!p0 $0x0  }
0x53: {  	[sflag:s0] =	ssyncadd.s32 @!p0 s1  }
0x54: {  	[bflag:$0x3] =	sbarrier.arrive $0xFFFF  }
0x55: {  	_ =	shalt  }

// kernel: kernel.9.cloned.1.call-start
scs
__scs_entry_jumppad:
0x0: {  	(pc) =	sbr.rel $0x88, $3  }
0x1: {  	(tag) =	ssettag $0x0;
	lr =	simm.s32 $0x1  }
0x2: {  	[smem:$0x3F91] =	sst lr;
	_ =	strace $0xD0000000  }
0x3: {  	_ = 	snop  }
0x4: {  	_ = 	snop  }
0x5: {  	_ = 	snop  }
0x6: {  	_ = 	snop  }
0x7: {  	_ = 	snop  }
__scs_overlays_trampoline_lowered:
0x8: {  	[smem:$0x3FA0] =	sst s0  }
0x9: {  	[smem:$0x3FA1] =	sst s1  }
0xa: {  	[smem:$0x3FA2] =	sst s2  }
0xb: {  	[smem:$0x3FA3] =	sst s3  }
0xc: {  	[smem:$0x3FA4] =	sst s4  }
0xd: {  	[smem:$0x3FA5] =	sst s5  }
0xe: {  	[smem:$0x3FA6] =	sst s6  }
0xf: {  	[smem:$0x3FA7] =	sst s7  }
0x10: {  	[smem:$0x3FA8] =	sst s8  }
0x11: {  	[smem:$0x3FA9] =	sst s9;
	s0 =	simm.s32 @!p0 $0x0  }
0x12: {  	s1 =	sld [smem:$0x3F8F];
	s0 =	simm.s32 @p0 $0x1  }
0x13: {  	[smem:$0x3FAA] =	sst s0;
	s0 =	simm.s32 @!p1 $0x0  }
0x14: {  	s2 =	sld [smem:$0x3F8E];
	s0 =	simm.s32 @p1 $0x1  }
0x15: {  	[smem:$0x3FAB] =	sst s0;
	s0 =	simm.s32 @!p2 $0x0  }
0x16: {  	s3 =	sld [smem:$0x3FDB];
	s0 =	simm.s32 @p2 $0x1  }
0x17: {  	s4 =	simm.s32 $0x1BF5;
	[smem:$0x3FAD] =	sst s0  }
0x18: {  	s0 =	sld [smem:$0x3F90];
	_ =	swait.ge [sflag:s4], $0x0  }
0x19: {  	s7 =	sld [smem:$0x3F91]  }
0x1a: {  	s8 =	sadd.s32 $0xFFFFE003, lr  }
0x1b: {  	s9 =	sadd.s32 $0xFFFFFEF7, lr;
	s5 =	simm.s32 $0xFFFFFFFF;
	p2 =	slt.u32 s8, $0xFFFFF086  }
0x1c: {  	p1 =	slt.u32 s9, $0xF7A;
	s5 =	simm.s32 @!p2 $0x0  }
0x1d: {  	s5 =	simm.s32 @p1 $0x1;
	p0 =	seq.s32 s7, s2  }
0x1e: {  	s7 =	smul.u32 @!p0 $0xF7A, s2;
	p2 =	seq.s32 @!p0 s5, $0x0  }
0x1f: {  	s9 =	smul.u32 $0xF7A, s1;
	s8 =	simm.s32 @!p0 $0x1BF5;
	p2 =	por !p2, p0  }
0x20: {  	[sflag:s8] =	ssyncset.s32 @!p0 $0xFFFFF086;
	s6 =	sadd.s32 @!p0 s3, s7;
	s7 =	simm.s32 @!p0 $0x108  }
0x21: {  	s3 =	sadd.s32 s3, s9;
	s6 =	sadd.s32 @!p0 $0x88, s6;
	s7 =	simm.s32 @p2 $0x1082  }
0x22: {  	[simem:s7], [sflag:s8] =	dma.local @!p0 [hbm:s6], $0xF7A  }
0x23: {  	s9 =	sor.u32 $0xD0000000, s2;
	s6 =	simm.s32 $0x108;
	_ =	swait.ge @!p0 [sflag:s8], $0x0  }
0x24: {  	s3 =	sadd.s32 $0x88, s3;
	s6 =	simm.s32 @!p1 $0x1082;
	[sflag:s4] =	ssyncset.s32 $0xFFFFF086  }
0x25: {  	[simem:s6], [sflag:s4] =	dma.local [hbm:s3], $0xF7A  }
0x26: {  	[smem:$0x3F91] =	sst s1;
	(tag) =	ssettag s2;
	_ =	strace s9  }
0x27: {  	s1 =	sld [smem:$0x3FA1]  }
0x28: {  	s2 =	sld [smem:$0x3FA2]  }
0x29: {  	s4 =	sld [smem:$0x3FA4]  }
0x2a: {  	p0 =	seq.s32 s5, $0x0;
	s5 =	sld [smem:$0x3FA5]  }
0x2b: {  	s6 =	sld [smem:$0x3FA6]  }
0x2c: {  	s7 =	sld [smem:$0x3FA7]  }
0x2d: {  	s3 =	simm.s32 $0x108;
	s8 =	sld [smem:$0x3FA8]  }
0x2e: {  	s3 =	simm.s32 @!p0 $0x1082;
	s9 =	sld [smem:$0x3FA9]  }
0x2f: {  	lr =	sadd.s32 s0, s3;
	s0 =	sld [smem:$0x3FA0]  }
0x30: {  	s3 =	sld [smem:$0x3FA3]  }
0x31: {  	[smem:$0x3FAC] =	sst s10  }
0x32: {  	s10 =	sld [smem:$0x3FAA];
	_ =	sdelay $0x3  }
0x33: {  	p0 =	seq.s32 s10, $0x1;
	s10 =	sld [smem:$0x3FAC];
	_ =	sdelay $0x3  }
0x34: {  	[smem:$0x3FAC] =	sst s10  }
0x35: {  	s10 =	sld [smem:$0x3FAB];
	_ =	sdelay $0x3  }
0x36: {  	p1 =	seq.s32 s10, $0x1;
	s10 =	sld [smem:$0x3FAC];
	_ =	sdelay $0x3  }
0x37: {  	[smem:$0x3FAC] =	sst s10  }
0x38: {  	s10 =	sld [smem:$0x3FAD]  }
0x39: {  	_ = 	snop;
	(pc) =	sbr.ind lr, $3  }
0x3a: {  	_ = 	snop  }
0x3b: {  	_ = 	snop  }
0x3c: {  	p2 =	seq.s32 s10, $0x1;
	s10 =	sld [smem:$0x3FAC]  }
0x3d: {  	_ =	shalt  }
0x3e: {  	_ =	shalt  }
0x3f: {  	_ =	shalt  }
0x40: {  	_ =	shalt  }
0x41: {  	_ =	shalt  }
0x42: {  	_ =	shalt  }
0x43: {  	_ =	shalt  }
0x44: {  	_ =	shalt  }
0x45: {  	_ =	shalt  }
0x46: {  	_ =	shalt  }
0x47: {  	_ =	shalt  }
0x48: {  	_ =	shalt  }
0x49: {  	_ =	shalt  }
0x4a: {  	_ =	shalt  }
0x4b: {  	_ =	shalt  }
0x4c: {  	_ =	shalt  }
0x4d: {  	_ =	shalt  }
0x4e: {  	_ =	shalt  }
0x4f: {  	_ =	shalt  }
0x50: {  	_ =	shalt  }
0x51: {  	_ =	shalt  }
0x52: {  	_ =	shalt  }
0x53: {  	_ =	shalt  }
0x54: {  	_ =	shalt  }
0x55: {  	_ =	shalt  }
0x56: {  	_ =	shalt  }
0x57: {  	_ =	shalt  }
0x58: {  	_ =	shalt  }
0x59: {  	_ =	shalt  }
0x5a: {  	_ =	shalt  }
0x5b: {  	_ =	shalt  }
0x5c: {  	_ =	shalt  }
0x5d: {  	_ =	shalt  }
0x5e: {  	_ =	shalt  }
0x5f: {  	_ =	shalt  }
0x60: {  	_ =	shalt  }
0x61: {  	_ =	shalt  }
0x62: {  	_ =	shalt  }
0x63: {  	_ =	shalt  }
0x64: {  	_ =	shalt  }
0x65: {  	_ =	shalt  }
0x66: {  	_ =	shalt  }
0x67: {  	_ =	shalt  }
0x68: {  	_ =	shalt  }
0x69: {  	_ =	shalt  }
0x6a: {  	_ =	shalt  }
0x6b: {  	_ =	shalt  }
0x6c: {  	_ =	shalt  }
0x6d: {  	_ =	shalt  }
0x6e: {  	_ =	shalt  }
0x6f: {  	_ =	shalt  }
0x70: {  	_ =	shalt  }
0x71: {  	_ =	shalt  }
0x72: {  	_ =	shalt  }
0x73: {  	_ =	shalt  }
0x74: {  	_ =	shalt  }
0x75: {  	_ =	shalt  }
0x76: {  	_ =	shalt  }
0x77: {  	_ =	shalt  }
0x78: {  	_ =	shalt  }
0x79: {  	_ =	shalt  }
0x7a: {  	_ =	shalt  }
0x7b: {  	_ =	shalt  }
0x7c: {  	_ =	shalt  }
0x7d: {  	_ =	shalt  }
0x7e: {  	_ =	shalt  }
0x7f: {  	_ =	shalt  }
0x80: {  	_ =	shalt  }
0x81: {  	_ =	shalt  }
0x82: {  	_ =	shalt  }
0x83: {  	_ =	shalt  }
0x84: {  	_ =	shalt  }
0x85: {  	_ =	shalt  }
0x86: {  	_ =	shalt  }
0x87: {  	_ =	shalt  }
.Lfunc_end0:
.L_simem_size_0:
called_computation.1_lowered:
.L_overlay_start_0:
0x88: {  	s2 =	sld [smem:$0x3FD9]  }
0x89: {  	s3 =	sld [smem:$0x3FFE];
	_ =	sdelay $0x1  }
0x8a: {  	s1 =	srdreg.scid  }
0x8b: {  	s0 =	sand.u32 $0x1, s1  }
0x8c: {  	s16 =	sshll.u32 s0, $0xA;
	s2 =	sadd.s32 s3, s2  }
0x8d: {  	s2 =	sadd.s32 s2, s16  }
0x8e: {  	[smem:$0x3FB8] =	sst s2  }
0x8f: {  	_ = 	snop  }
0x90: {  	(tm) =	ssettm $0x1  }
0x91: {  	s17 =	sld [smem:$0x3FFB];
	_ =	sdelay $0x3  }
0x92: {  	_ =	strace s17  }
0x93: {  	s2 =	sld [smem:$0x3FFC];
	_ =	sdelay $0x3  }
0x94: {  	_ =	strace s2  }
0x95: {  	s2 =	sld [smem:$0x3FFD];
	_ =	sdelay $0x3  }
0x96: {  	_ =	strace s2  }
0x97: {  	_ =	strace $0x8FFFFFFF  }
0x98: {  	s18 =	sld [smem:$0x3FDB];
	_ =	sdelay $0x1  }
0x99: {  	s19 =	simm.s32 $_scs_section_size  }
0x9a: {  	s4 =	simm.s32 $_size__tile_overlayer_lowered;
	s5 =	simm.s32 $_tile_overlayer_lowered  }
0x9b: {  	s22 =	simm.s32 $0x1BFF;
	s21 =	sshll.u32 s5, $0x1;
	s2 =	sadd.s32 s19, s18  }
0x9c: {  	s6 =	simm.s32 $0x0;
	s20 =	sshll.u32 s4, $0x1;
	s4 =	sadd.s32 s21, s2  }
0x9d: {  	[timem:s6], [sflag:s22] =	dma.local [hbm:s4], s20  }
0x9e: {  	_ =	swait.ge [sflag:s22], s20  }
0x9f: {  	s3 =	ssub.s32 $0x0, s20;
	[sflag:s22] =	ssyncset.done $0x0  }
0xa0: {  	[sflag:s22] =	ssyncadd.s32 s3;
	_ =	sdelay $0x1  }
0xa1: {  	s23 =	simm.s32 $0x1B8B  }
0xa2: {  	_ =	swait.ge [sflag:s23], $0x1  }
0xa3: {  	[sflag:s23] =	ssyncset.done $0x0  }
0xa4: {  	s25 =	simm.s32 $0x1B8E;
	s24 =	sld [smem:$0x3FFE];
	[sflag:s23] =	ssyncadd.s32 $0xFFFFFFFF  }
0xa5: {  	s26 =	simm.s32 $execute0_lowered;
	[smem:$0x3FD2] =	sst s25  }
0xa6: {  	s4 =	sshll.u32 s26, $0x1;
	_ =	strace $0x80000049;
	[dreg:$0x1] =	wrdreg $0xFFFFFFFF  }
0xa7: {  	s28 =	simm.s32 $_size_execute0_lowered;
	s2 =	sadd.s32 s2, s4;
	[dreg:$0x0] =	wrdreg $0x0  }
0xa8: {  	s4 =	sshll.u32 s28, $0x1;
	[dreg:$0x2] =	wrdreg s2  }
0xa9: {  	[dreg:$0x3] =	wrdreg s4  }
0xaa: {  	[dreg:$0x4] =	wrdreg $0xC0  }
0xab: {  	_ =	task [dreg:s6], $0x5FFFF  }
0xac: {  	[dreg:$0x1] =	wrdreg $0xFFFFFFFF  }
0xad: {  	[dreg:$0x0] =	wrdreg $0x60  }
0xae: {  	[dreg:$0x2] =	wrdreg s24  }
0xaf: {  	[dreg:$0x3] =	wrdreg $0xA8000  }
0xb0: {  	[dreg:$0x4] =	wrdreg $0x9  }
0xb1: {  	_ =	task.clear_ibuf [dreg:s6], $0x5FFFF;
	_ =	strace $0x90000049  }
0xb2: {  	s29 =	simm.s32 $0x9;
	_ =	strace $0x8000004B  }
0xb3: {  	_ =	swait.ge [sflag:s29], $0x1  }
0xb4: {  	[sflag:s29] =	ssyncadd.s32 $0xFFFFFFFF  }
0xb5: {  	_ =	strace $0x9000004B  }
0xb6: {  	_ =	sfence  }
0xb7: {  	s30 =	sld [smem:$0x0];
	_ =	sdelay $0x2  }
0xb8: {  	s31 =	sshll.u32 s1, $0xD;
	s1 =	sshrl.u32 s1, $0x2  }
0xb9: {  	s3 =	sand.u32 $0x4000, s31;
	s1 =	sadd.s32 s1, s30  }
0xba: {  	s0 =	sor.u32 s3, s0;
	s1 =	sshll.u32 s1, $0x11  }
0xbb: {  	s0 =	sor.u32 s1, s0  }
0xbc: {  	s0 =	sadd.s32 $0x8F2B, s0  }
0xbd: {  	[sflag:s0] =	ssyncadd.remote.s32 $0x1  }
0xbe: {  	_ =	sfence.sel $0xFFFF  }
0xbf: {  	[dreg:$0x0] =	wrdreg $0xFFFFFFFF;
	(pc) =	sbr.abs _section_cstart, $3  }
0xc0: {  	[dreg:$0x1] =	wrdreg $0xFFFFFFFF  }
0xc1: {  	_ =	task.clear_ibuf [dreg:s6], $0x2FFFF;
	_ =	strace $0x9FFFFFFF  }
0xc2: {  	(tm) =	ssettm $0x7FFFFFFF  }
0xc3: {  	_ =	shalt  }
tec
execute0_lowered:
.L_overlay_start_1:
0x0: {  	(tag) =	ssettag $0x1  }
0x1: {  	s7 =	rddreg [dreg:$0x0]  }
0x2: {  	s1 =	rddreg [dreg:$0x1];
	s2 =	srdreg.scid  }
0x3: {  	s0 =	rddreg [dreg:$0x2];
	s11 =	stileid.u32;
	s16 =	simm.s32 $0x50  }
0x4: {  	s17 =	simm.s32 $0x8000;
	s18 =	simm.s32 $0x1;
	s19 =	simm.s32 $0x0  }
0x5: {  	s4 =	sand.u32 $0x1, s2;
	s2 =	simm.s32 $0x0;
	s8 =	smul.u32 $0x13800, s11  }
0x6: {  	s5 =	sshll.u32 s11, $0xB;
	s10 =	smul.u32 $0x4E000, s11;
	s12 =	sadd.s32 $0x98C00, s7  }
0x7: {  	s15 =	sadd.s32 $0x138000, s1;
	p0 =	sne.s32 s11, $0x0;
	s31 =	sshll.u32 s11, $0x6  }
0x8: {  	s11 =	simm.s32 $0x2;
	s3 =	sshll.u32 s4, $0xF;
	[smem:$0x7FF] =	sst s2  }
0x9: {  	s9 =	ssub.s32 $0x2, s4;
	s29 =	smul.u32 $0x138800, s4;
	s15 =	sshrl.u32 @!p0 s15, $0x3  }
0xa: {  	s3 =	sor.u32 s5, s3;
	_ =	strace $0x8000004A;
	s6 =	sshrl.u32 s8, $0x3  }
0xb: {  	s13 =	sshrl.u32 s9, $0x1;
	s28 =	sshrl.u32 s10, $0x2;
	s5 =	sadd.s32 s3, s7  }
0xc: {  	s3 =	sadd.s32 $0x4A800, s7;
	s6 =	sadd.s32 s6, s7;
	s13 =	ssub.s32 s9, s13  }
0xd: {  	s14 =	sadd.s32 s28, s1;
	s8 =	sadd.s32 s8, s29;
	s30 =	sshrl.u32 s29, $0x3  }
0xe: {  	s7 =	sadd.s32 $0x4A600, s7;
	s4 =	sadd.s32 $0x3600, s5;
	s5 =	sadd.s32 $0x13600, s5  }
0xf: {  	s6 =	sadd.s32 $0x23600, s6;
	s8 =	sshrl.u32 s8, $0x3;
	s9 =	sadd.s32 s12, s30  }
0x10: {  	s10 =	smax.u32 s13, $0x1;
	s13 =	sor.u32 $0x1C02, s31;
	s14 =	sshrl.u32 s14, $0x3  }
0x11: {  	s8 =	sadd.s32 s12, s8;
	s9 =	sadd.s32 $0x27000, s9;
	s12 =	simm.s32 $0x4000  }
.LBB2_1:
0x12: {  	[tilespmem:s2], [sflag:$0x2] =	stream.linear.gather [hbm4b:s4+s2], $0x3E80, $0x38;
	[tilespmem:$0x1E080] =	vst v63  }
0x13: {  	_ =	swait.ge [sflag:s11], $0x3E80  }
0x14: {  	[sflag:s11] =	ssyncset.done $0x0  }
0x15: {  	[sflag:s11] =	ssyncadd.s32 $0xFFFFC180  }
0x16: {  	[tilespmem:s12], [sflag:$0x2] =	stream.linear.gather [hbm4b:s5+s2], $0x3E80, $0x38;
	[tilespmem:$0x1E080] =	vst v63  }
0x17: {  	_ =	swait.ge [sflag:s11], $0x3E80  }
0x18: {  	[sflag:s11] =	ssyncset.done $0x0  }
0x19: {  	[sflag:s11] =	ssyncadd.s32 $0xFFFFC180  }
0x1a: {  	[spmem:s14], [sflag:s13] =	dma.local [hbm:s6], $0x2700  }
0x1b: {  	_ =	swait.ge [sflag:s11], $0x2700  }
0x1c: {  	[sflag:s11] =	ssyncset.done $0x0  }
0x1d: {  	s20 =	simm.s32 @!p0 $0x2;
	[sflag:s11] =	ssyncadd.s32 $0xFFFFD900  }
0x1e: {  	[spmem:s15], [sflag:s13] =	dma.local @!p0 [hbm:s7], $0x100  }
0x1f: {  	_ =	swait.ge @!p0 [sflag:s20], $0x100  }
0x20: {  	[sflag:s20] =	ssyncset.done @!p0 $0x0  }
0x21: {  	[sflag:s20] =	ssyncadd.s32 @!p0 $0xFFFFFF00  }
0x22: {  	s30 =	simm.s32 $0x0;
	[bflag:$0x0] =	sbarrier.arrive $0xFFFF  }
0x23: {  	[tilespmem:s17], [sflag:$0x1] =	stream.indirect.gather [hbm4b:s3+s16], $0x80, s30, s16, $0xb8;
	[tilespmem:$0x1E080] =	vst v63  }
0x24: {  	_ =	swait.ge [sflag:s18], $0x2800  }
0x25: {  	[sflag:s18] =	ssyncset.done $0x0  }
0x26: {  	s31 =	simm.s32 $0x4000;
	[sflag:s18] =	ssyncadd.s32 $0xFFFFD800  }
0x27: {  	[spmem:s1] =	stream.indirect.scatter.add.f32 [tilespmem:s17], [sflag:$0x2], $0x80, s31, s16, $0xb8;
	[tilespmem:$0x1E080] =	vst v63  }
0x28: {  	_ =	swait.ge [sflag:s11], $0x2800  }
0x29: {  	s21 =	simm.s32 $0x400;
	s20 =	simm.s32 $0x200;
	[sflag:s11] =	ssyncset.done $0x0  }
.LBB2_2:
0x2a: {  	s22 =	sshra.s32 s20, $0x2  }
0x2b: {  	[sflag:s11] =	ssyncadd.s32 $0xFFFFD800;
	s20 =	smov.u32 s21;
	s23 =	sadd.s32 $0x200, s21  }
0x2c: {  	[tilespmem:s17], [sflag:$0x1] =	stream.indirect.gather [hbm4b:s3+s16], $0x80, s22, s16, $0xb8;
	[tilespmem:$0x1E080] =	vst v63  }
0x2d: {  	p1 =	sne.s32 s21, $0xF800;
	_ =	swait.ge [sflag:s18], $0x2800  }
.Ltmp0:
0x2e: {  	[sflag:s18] =	ssyncset.done $0x0;
	(pc) =	sbr.rel @p1 .LBB2_2-.Ltmp0, $4  }
0x2f: {  	s21 =	sadd.s32 $0x4000, s22;
	[sflag:s18] =	ssyncadd.s32 $0xFFFFD800  }
0x30: {  	[spmem:s1] =	stream.indirect.scatter.add.f32 [tilespmem:s17], [sflag:$0x2], $0x80, s21, s16, $0xb8;
	[tilespmem:$0x1E080] =	vst v63  }
0x31: {  	_ =	swait.ge [sflag:s11], $0x2800  }
0x32: {  	s21 =	smov.u32 s23;
	[sflag:s11] =	ssyncset.done $0x0  }
0x33: {  	s20 =	sshra.s32 s20, $0x2;
	[sflag:s11] =	ssyncadd.s32 $0xFFFFD800  }
0x34: {  	[tilespmem:s17], [sflag:$0x1] =	stream.indirect.gather [hbm4b:s3+s16], $0x80, s20, s16, $0xb8;
	[tilespmem:$0x1E080] =	vst v63  }
0x35: {  	_ =	swait.ge [sflag:s18], $0x2800  }
0x36: {  	[sflag:s18] =	ssyncset.done $0x0  }
0x37: {  	s20 =	sadd.s32 $0x4000, s20;
	[sflag:s18] =	ssyncadd.s32 $0xFFFFD800  }
0x38: {  	[spmem:s1] =	stream.indirect.scatter.add.f32 [tilespmem:s17], [sflag:$0x2], $0x80, s20, s16, $0xb8;
	[tilespmem:$0x1E080] =	vst v63  }
0x39: {  	_ =	swait.ge [sflag:s11], $0x2800  }
0x3a: {  	[sflag:s11] =	ssyncset.done $0x0  }
0x3b: {  	[sflag:s11] =	ssyncadd.s32 $0xFFFFD800  }
0x3c: {  	[bflag:$0x0] =	sbarrier.arrive $0xFFFF  }
0x3d: {  	[hbm:s8], [sflag:s13] =	dma.local [spmem:s14], $0x2700  }
0x3e: {  	s19 =	sadd.s32 $0x1, s19;
	_ =	swait.ge [sflag:s11], $0x2700  }
0x3f: {  	p1 =	sne.s32 s19, s10;
	[sflag:s11] =	ssyncset.done $0x0  }
.Ltmp1:
0x40: {  	s20 =	simm.s32 @!p0 $0x2;
	[sflag:s11] =	ssyncadd.s32 $0xFFFFD900;
	(pc) =	sbr.rel @p1 .LBB2_1-.Ltmp1, $4  }
0x41: {  	[hbm:s9], [sflag:s13] =	dma.local @!p0 [spmem:s15], $0x100  }
0x42: {  	_ =	swait.ge @!p0 [sflag:s20], $0x100  }
0x43: {  	[sflag:s20] =	ssyncset.done @!p0 $0x0  }
0x44: {  	[sflag:s20] =	ssyncadd.s32 @!p0 $0xFFFFFF00  }
0x45: {  	_ =	sfence.sel $0x180000  }
0x46: {  	[bflag:$0x0] =	sbarrier.arrive $0xFFFF  }
0x47: {  	_ =	strace $0x9000004A  }
0x48: {  	s0 =	sadd.s32 @!p0 $0x100000, s0;
	[bflag:$0x2] =	sbarrier.arrive $0xFFFF  }
0x49: {  	[sflag:s0] =	ssyncadd.tile.s32 @!p0 $0x1;
	_ =	shalt  }
.Lfunc_end2:
_tile_overlayer_lowered:
.L_overlay_start_2:
0x4a: {  	(tag) =	ssettag $0x2  }
0x4b: {  	s0 =	rddreg [dreg:$0x0];
	s2 =	stileid.u32  }
0x4c: {  	s1 =	rddreg [dreg:$0x1];
	p0 =	sne.s32 s2, $0x0  }
0x4d: {  	s3 =	rddreg [dreg:$0x2];
	[bflag:$0x3] =	sbarrier.arrive $0xFFFF;
	s2 =	simm.s32 @!p0 $0x1C02  }
0x4e: {  	[timem:s3], [sflag:s2] =	dma.local @!p0 [hbm:s0], s1  }
0x4f: {  	s0 =	simm.s32 @!p0 $0x2  }
0x50: {  	_ =	swait.ge @!p0 [sflag:s0], s1  }
0x51: {  	s1 =	ssub.s32 @!p0 $0x0, s1;
	[sflag:s0] =	ssyncset.done @!p0 $0x0  }
0x52: {  	[sflag:s0] =	ssyncadd.s32 @!p0 s1  }
0x53: {  	[bflag:$0x3] =	sbarrier.arrive $0xFFFF  }
0x54: {  	_ =	shalt  }

</sc_bundles>
